<compile_context>
chip_gen: v7x
topology: tpu7x:2x2x1
jax: 0.10.2.dev20260603
libtpu: 0.0.44.dev20260713+nightly
codegen_flags: <defaults>
</compile_context>

<pallas_src>
import jax
import jax.numpy as jnp
from jax import lax
from jax.experimental import pallas as pl
from jax.experimental.pallas import tpu as pltpu
from jax.experimental.pallas import tpu_sc as plsc

N_ROWS = 100000
D = 128
S = 512
NC = 2
NS = 16
NW = NC * NS
PIECE = 128
CHUNK = 256
K_MAX = 7
SC_ROWS = K_MAX * NW * CHUNK
RB = 2048
TC_ROWS = N_ROWS - SC_ROWS
TC_GRID = -(-TC_ROWS // RB)
TC_BLK0 = SC_ROWS // RB


def _sc_body(x_hbm, batch_hbm, zsum_hbm, zcnt_hbm,
             psum_hbm, pcnt_hbm,
             xb0, xb1, ia0, ia1, ib0b, ib1b, cnt, ssum,
             gs0, gs1, ss0, ss1):
    cid = lax.axis_index("c")
    sid = lax.axis_index("s")
    w = cid * NS + sid
    xb, gs, ss = (xb0, xb1), (gs0, gs1), (ss0, ss1)
    ia, ibb = (ia0, ia1), (ib0b, ib1b)

    pltpu.sync_copy(zsum_hbm.at[pl.ds(sid * 32, 32)], ssum.at[pl.ds(sid * 32, 32)])
    pltpu.sync_copy(zcnt_hbm, cnt)
    plsc.subcore_barrier()

    ones16 = jnp.ones((16,), jnp.float32)

    def base_of(k):
        return (w * K_MAX + k) * CHUNK

    def g_issue(k, b):
        base = base_of(k)
        pltpu.async_copy(x_hbm.at[pl.ds(base, CHUNK)], xb[b], gs[b])
        pltpu.async_copy(batch_hbm.at[pl.ds(base, PIECE)], ia[b], gs[b])
        pltpu.async_copy(batch_hbm.at[pl.ds(base + PIECE, PIECE)], ibb[b], gs[b])

    def g_wait(k, b):
        base = base_of(k)
        pltpu.make_async_copy(x_hbm.at[pl.ds(base, CHUNK)], xb[b], gs[b]).wait()
        pltpu.make_async_copy(batch_hbm.at[pl.ds(base, PIECE)], ia[b], gs[b]).wait()
        pltpu.make_async_copy(batch_hbm.at[pl.ds(base + PIECE, PIECE)], ibb[b], gs[b]).wait()

    def s_issue(b):
        pltpu.async_copy(xb[b].at[pl.ds(0, PIECE)], ssum.at[ia[b]], ss[b], add=True)
        pltpu.async_copy(xb[b].at[pl.ds(PIECE, PIECE)], ssum.at[ibb[b]], ss[b], add=True)

    def s_wait(b):
        pltpu.make_async_copy(xb[b].at[pl.ds(0, PIECE)], ssum.at[ia[b]], ss[b]).wait()
        pltpu.make_async_copy(xb[b].at[pl.ds(PIECE, PIECE)], ssum.at[ibb[b]], ss[b]).wait()

    def counts(b):
        for j in range(PIECE // 16):
            plsc.addupdate_scatter(cnt, [ia[b][pl.ds(j * 16, 16)]], ones16)
        for j in range(PIECE // 16):
            plsc.addupdate_scatter(cnt, [ibb[b][pl.ds(j * 16, 16)]], ones16)

    g_issue(0, 0)

    for k in range(K_MAX):
        b, b1 = k % 2, (k + 1) % 2
        g_wait(k, b)
        s_issue(b)
        counts(b)
        if k + 1 < K_MAX:
            if k >= 1:
                s_wait(b1)
            g_issue(k + 1, b1)

    s_wait(K_MAX % 2)
    s_wait((K_MAX - 1) % 2)

    pltpu.sync_copy(cnt, pcnt_hbm.at[w])

    plsc.subcore_barrier()

    pltpu.sync_copy(ssum.at[pl.ds(sid * 32, 32)],
                    psum_hbm.at[cid, pl.ds(sid * 32, 32)])


_sc_pool = pl.kernel(
    _sc_body,
    out_type=(
        jax.ShapeDtypeStruct((NC, S, D), jnp.float32),
        jax.ShapeDtypeStruct((NW, S), jnp.float32),
    ),
    mesh=plsc.VectorSubcoreMesh(
        core_axis_name="c", subcore_axis_name="s",
        num_cores=NC, num_subcores=NS,
    ),
    compiler_params=pltpu.CompilerParams(needs_layout_passes=False),
    scratch_types=[
        pltpu.VMEM((CHUNK, D), jnp.float32),
        pltpu.VMEM((CHUNK, D), jnp.float32),
        pltpu.VMEM((PIECE,), jnp.int32),
        pltpu.VMEM((PIECE,), jnp.int32),
        pltpu.VMEM((PIECE,), jnp.int32),
        pltpu.VMEM((PIECE,), jnp.int32),
        pltpu.VMEM((S,), jnp.float32),
        pltpu.VMEM_SHARED((S, D), jnp.float32),
        pltpu.SemaphoreType.DMA,
        pltpu.SemaphoreType.DMA,
        pltpu.SemaphoreType.DMA,
        pltpu.SemaphoreType.DMA,
    ],
)


def _tc_body(ids_ref, x_ref, sum_ref, cnt_ref):
    i = pl.program_id(0)

    @pl.when(i == 0)
    def _():
        sum_ref[...] = jnp.zeros_like(sum_ref)
        cnt_ref[...] = jnp.zeros_like(cnt_ref)

    ids16 = ids_ref[0].astype(jnp.int16)
    seg16 = lax.broadcasted_iota(jnp.int16, (S, 1), 0)
    lane16 = lax.broadcasted_iota(jnp.int16, (1, RB), 1)
    rem = jnp.minimum(TC_ROWS - i * RB, RB).astype(jnp.int16)
    cond = (ids16 == seg16) & (lane16 < rem)
    oh_bf = jnp.where(cond, jnp.bfloat16(1.0), jnp.bfloat16(0.0))
    rvalid = lax.broadcasted_iota(jnp.int32, (RB, 1), 0) < TC_ROWS - i * RB
    xm = jnp.where(rvalid, x_ref[...], 0.0)
    dn = (((1,), (0,)), ((), ()))
    sum_ref[...] += lax.dot_general(
        oh_bf, xm.astype(jnp.bfloat16), dn, preferred_element_type=jnp.float32)
    cnt_ref[...] += lax.dot_general(
        oh_bf, jnp.ones((RB, 1), jnp.bfloat16), dn,
        preferred_element_type=jnp.float32)


_tc_pool = pl.pallas_call(
    _tc_body,
    grid=(TC_GRID,),
    in_specs=[
        pl.BlockSpec((1, 1, RB), lambda i: (i, 0, 0)),
        pl.BlockSpec((RB, D), lambda i: (TC_BLK0 + i, 0)),
    ],
    out_specs=[
        pl.BlockSpec((S, D), lambda i: (0, 0)),
        pl.BlockSpec((S, 1), lambda i: (0, 0)),
    ],
    out_shape=[
        jax.ShapeDtypeStruct((S, D), jnp.float32),
        jax.ShapeDtypeStruct((S, 1), jnp.float32),
    ],
)


def _combine_body(ps_ref, pc_ref, ts_ref, tcnt_ref, o_ref):
    sums = ps_ref[0] + ps_ref[1] + ts_ref[...]
    cnt = jnp.sum(pc_ref[...], axis=0) + tcnt_ref[..., 0]
    o_ref[...] = sums / jnp.maximum(cnt, 1.0)[:, None]


_combine = pl.pallas_call(
    _combine_body,
    out_shape=jax.ShapeDtypeStruct((S, D), jnp.float32),
)


@jax.jit
def kernel(x, batch):
    batch = batch.astype(jnp.int32)
    zsum = jnp.zeros((S, D), jnp.float32)
    zcnt = jnp.zeros((S,), jnp.float32)
    ids_tc = jnp.pad(batch[SC_ROWS:], (0, TC_GRID * RB - TC_ROWS))
    ids_tc = ids_tc.reshape(TC_GRID, 1, RB)
    psum, pcnt = _sc_pool(x, batch, zsum, zcnt)
    tsum, tcnt = _tc_pool(ids_tc, x)
    return _combine(psum, pcnt, tsum, tcnt)

# --- scband reference (transcript-rebuilt; emitter-appended) ---
"""Pipeline reference for scband-gnnpooling-28467043238277 (READ-ONLY COPY).

The authoritative reference and input builder live on the scoring server;
editing this copy changes nothing except your own understanding.
"""

import jax, jax.numpy as jnp
import numpy as np

NUM_SEGMENTS = 512

def setup_inputs(seed: int = 0) -> dict:
    key = jax.random.key(seed)
    k1, k2 = jax.random.split(key)
    x = jax.random.normal(k1, (100000, 128), dtype=jnp.float32)
    batch = jnp.sort(jax.random.randint(k2, (100000,), 0, NUM_SEGMENTS, dtype=jnp.int64))
    return {"x": x, "batch": batch}

def reference(x, batch):
    # global_mean_pool: segment-wise mean over node features
    sums = jax.ops.segment_sum(x, batch, num_segments=NUM_SEGMENTS)
    counts = jax.ops.segment_sum(jnp.ones((x.shape[0],), dtype=x.dtype), batch, num_segments=NUM_SEGMENTS)
    counts = jnp.maximum(counts, 1.0)
    return sums / counts[:, None]

if __name__ == "__main__":
    import jax
    _d = setup_inputs()
    print(jax.jit(kernel)(*tuple(_d.values())))

</pallas_src>

<mosaic_0001>
#map = affine_map<(d0, d1) -> (0, 0)>
#map1 = affine_map<(d0, d1) -> (0)>
#map2 = affine_map<(d0, d1) -> (0, 0, 0)>
module attributes {stable_mosaic.version = 14 : i64} {
  func.func @_sc_body(%arg0: i32, %arg1: i32, %arg2: memref<100000x128xf32, #tpu.memory_space<hbm>>, %arg3: memref<100000xi32, #tpu.memory_space<hbm>>, %arg4: memref<512x128xf32, #tpu.memory_space<hbm>>, %arg5: memref<512xf32, #tpu.memory_space<hbm>>, %arg6: memref<2x512x128xf32, #tpu.memory_space<hbm>>, %arg7: memref<32x512xf32, #tpu.memory_space<hbm>>, %arg8: memref<256x128xf32, #tpu.memory_space<vmem>>, %arg9: memref<256x128xf32, #tpu.memory_space<vmem>>, %arg10: memref<128xi32, #tpu.memory_space<vmem>>, %arg11: memref<128xi32, #tpu.memory_space<vmem>>, %arg12: memref<128xi32, #tpu.memory_space<vmem>>, %arg13: memref<128xi32, #tpu.memory_space<vmem>>, %arg14: memref<512xf32, #tpu.memory_space<vmem>>, %arg15: memref<512x128xf32, #tpu.memory_space<vmem_shared>>, %arg16: memref<!tpu.dma_semaphore, #tpu.memory_space<semaphore_mem>>, %arg17: memref<!tpu.dma_semaphore, #tpu.memory_space<semaphore_mem>>, %arg18: memref<!tpu.dma_semaphore, #tpu.memory_space<semaphore_mem>>, %arg19: memref<!tpu.dma_semaphore, #tpu.memory_space<semaphore_mem>>) attributes {dimension_semantics = [#tpu.dimension_semantics<core_parallel>, #tpu.dimension_semantics<subcore_parallel>], iteration_bounds = array<i64: 2, 16>, scalar_prefetch = 0 : i64, scratch_operands = 12 : i64, tpu.core_type = #tpu.core_type<sc_vector_subcore>, window_params = [{transform_indices = #map}, {transform_indices = #map1}, {transform_indices = #map}, {transform_indices = #map1}, {transform_indices = #map2}, {transform_indices = #map}]} {
    %mul3A = arith.constant 16 : i32
    %mul3A_0 = arith.muli %arg0, %mul3A : i32
    %add3A = arith.addi %mul3A_0, %arg1 : i32
    %mul3A_1 = arith.constant 32 : i32
    %mul3A_2 = arith.muli %arg1, %mul3A_1 : i32
    %mul3A_3 = arith.constant 32 : i32
    %mul3A_4 = arith.muli %arg1, %mul3A_3 : i32
    "tpu.region"() ({
      %run_scoped3A = tpu.sem_alloc : memref<!tpu.dma_semaphore, #tpu.memory_space<semaphore_mem>>
      %dma_start3A_624 = arith.constant 0 : i32
      %dma_start3A_625 = tpu.memref_slice %arg15[%mul3A_4, %dma_start3A_624] : memref<512x128xf32, #tpu.memory_space<vmem_shared>> -> memref<32x128xf32, #tpu.memory_space<vmem_shared>>
      %dma_start3A_626 = arith.constant 0 : i32
      %dma_start3A_627 = tpu.memref_slice %arg4[%mul3A_2, %dma_start3A_626] : memref<512x128xf32, #tpu.memory_space<hbm>> -> memref<32x128xf32, #tpu.memory_space<hbm>>
      tpu.enqueue_dma source(%dma_start3A_627 : memref<32x128xf32, #tpu.memory_space<hbm>>) target(%dma_start3A_625 : memref<32x128xf32, #tpu.memory_space<vmem_shared>>) target_semaphore(%run_scoped3A : memref<!tpu.dma_semaphore, #tpu.memory_space<semaphore_mem>>)
      %dma_wait3A_628 = arith.constant 0 : i32
      %dma_wait3A_629 = tpu.memref_slice %arg15[%mul3A_4, %dma_wait3A_628] : memref<512x128xf32, #tpu.memory_space<vmem_shared>> -> memref<32x128xf32, #tpu.memory_space<vmem_shared>>
      %dma_wait3A_630 = arith.constant 0 : i32
      %dma_wait3A_631 = tpu.memref_slice %arg4[%mul3A_2, %dma_wait3A_630] : memref<512x128xf32, #tpu.memory_space<hbm>> -> memref<32x128xf32, #tpu.memory_space<hbm>>
      tpu.wait_dma2 semaphore(%run_scoped3A : memref<!tpu.dma_semaphore, #tpu.memory_space<semaphore_mem>>) src(%dma_wait3A_631 : memref<32x128xf32, #tpu.memory_space<hbm>>) dst(%dma_wait3A_629 : memref<32x128xf32, #tpu.memory_space<vmem_shared>>)
      tpu.yield
    }) : () -> ()
    "tpu.region"() ({
      %run_scoped3A = tpu.sem_alloc : memref<!tpu.dma_semaphore, #tpu.memory_space<semaphore_mem>>
      tpu.enqueue_dma source(%arg5 : memref<512xf32, #tpu.memory_space<hbm>>) target(%arg14 : memref<512xf32, #tpu.memory_space<vmem>>) target_semaphore(%run_scoped3A : memref<!tpu.dma_semaphore, #tpu.memory_space<semaphore_mem>>)
      tpu.wait_dma2 semaphore(%run_scoped3A : memref<!tpu.dma_semaphore, #tpu.memory_space<semaphore_mem>>) src(%arg5 : memref<512xf32, #tpu.memory_space<hbm>>) dst(%arg14 : memref<512xf32, #tpu.memory_space<vmem>>)
      tpu.yield
    }) : () -> ()
    %barrier3A = arith.constant 0 : index
    tpu.barrier barrier_id(%barrier3A)
    %broadcast_in_dim3A = arith.constant 1.000000e+00 : f32
    %broadcast_in_dim3A_5 = vector.broadcast %broadcast_in_dim3A : f32 to vector<16xf32>
    %mul3A_6 = arith.constant 7 : i32
    %mul3A_7 = arith.muli %add3A, %mul3A_6 : i32
    %add3A_8 = arith.constant 0 : i32
    %add3A_9 = arith.addi %mul3A_7, %add3A_8 : i32
    %mul3A_10 = arith.constant 256 : i32
    %mul3A_11 = arith.muli %add3A_9, %mul3A_10 : i32
    %dma_start3A = arith.constant 0 : i32
    %dma_start3A_12 = tpu.memref_slice %arg2[%mul3A_11, %dma_start3A] : memref<100000x128xf32, #tpu.memory_space<hbm>> -> memref<256x128xf32, #tpu.memory_space<hbm>>
    %dma_start3A_13 = arith.constant 0 : i32
    %dma_start3A_14 = tpu.memref_slice %arg2[%mul3A_11, %dma_start3A_13] : memref<100000x128xf32, #tpu.memory_space<hbm>> -> memref<256x128xf32, #tpu.memory_space<hbm>>
    tpu.enqueue_dma source(%dma_start3A_14 : memref<256x128xf32, #tpu.memory_space<hbm>>) target(%arg8 : memref<256x128xf32, #tpu.memory_space<vmem>>) target_semaphore(%arg16 : memref<!tpu.dma_semaphore, #tpu.memory_space<semaphore_mem>>)
    %dma_start3A_15 = tpu.memref_slice %arg3[%mul3A_11] : memref<100000xi32, #tpu.memory_space<hbm>> -> memref<128xi32, #tpu.memory_space<hbm>>
    %dma_start3A_16 = tpu.memref_slice %arg3[%mul3A_11] : memref<100000xi32, #tpu.memory_space<hbm>> -> memref<128xi32, #tpu.memory_space<hbm>>
    tpu.enqueue_dma source(%dma_start3A_16 : memref<128xi32, #tpu.memory_space<hbm>>) target(%arg10 : memref<128xi32, #tpu.memory_space<vmem>>) target_semaphore(%arg16 : memref<!tpu.dma_semaphore, #tpu.memory_space<semaphore_mem>>)
    %add3A_17 = arith.constant 128 : i32
    %add3A_18 = arith.addi %mul3A_11, %add3A_17 : i32
    %dma_start3A_19 = tpu.memref_slice %arg3[%add3A_18] : memref<100000xi32, #tpu.memory_space<hbm>> -> memref<128xi32, #tpu.memory_space<hbm>>
    %dma_start3A_20 = tpu.memref_slice %arg3[%add3A_18] : memref<100000xi32, #tpu.memory_space<hbm>> -> memref<128xi32, #tpu.memory_space<hbm>>
    tpu.enqueue_dma source(%dma_start3A_20 : memref<128xi32, #tpu.memory_space<hbm>>) target(%arg12 : memref<128xi32, #tpu.memory_space<vmem>>) target_semaphore(%arg16 : memref<!tpu.dma_semaphore, #tpu.memory_space<semaphore_mem>>)
    %mul3A_21 = arith.constant 7 : i32
    %mul3A_22 = arith.muli %add3A, %mul3A_21 : i32
    %add3A_23 = arith.constant 0 : i32
    %add3A_24 = arith.addi %mul3A_22, %add3A_23 : i32
    %mul3A_25 = arith.constant 256 : i32
    %mul3A_26 = arith.muli %add3A_24, %mul3A_25 : i32
    %dma_wait3A = arith.constant 0 : i32
    %dma_wait3A_27 = tpu.memref_slice %arg2[%mul3A_26, %dma_wait3A] : memref<100000x128xf32, #tpu.memory_space<hbm>> -> memref<256x128xf32, #tpu.memory_space<hbm>>
    %dma_wait3A_28 = arith.constant 0 : i32
    %dma_wait3A_29 = tpu.memref_slice %arg2[%mul3A_26, %dma_wait3A_28] : memref<100000x128xf32, #tpu.memory_space<hbm>> -> memref<256x128xf32, #tpu.memory_space<hbm>>
    tpu.wait_dma2 semaphore(%arg16 : memref<!tpu.dma_semaphore, #tpu.memory_space<semaphore_mem>>) src(%dma_wait3A_29 : memref<256x128xf32, #tpu.memory_space<hbm>>) dst(%arg8 : memref<256x128xf32, #tpu.memory_space<vmem>>)
    %dma_wait3A_30 = tpu.memref_slice %arg3[%mul3A_26] : memref<100000xi32, #tpu.memory_space<hbm>> -> memref<128xi32, #tpu.memory_space<hbm>>
    %dma_wait3A_31 = tpu.memref_slice %arg3[%mul3A_26] : memref<100000xi32, #tpu.memory_space<hbm>> -> memref<128xi32, #tpu.memory_space<hbm>>
    tpu.wait_dma2 semaphore(%arg16 : memref<!tpu.dma_semaphore, #tpu.memory_space<semaphore_mem>>) src(%dma_wait3A_31 : memref<128xi32, #tpu.memory_space<hbm>>) dst(%arg10 : memref<128xi32, #tpu.memory_space<vmem>>)
    %add3A_32 = arith.constant 128 : i32
    %add3A_33 = arith.addi %mul3A_26, %add3A_32 : i32
    %dma_wait3A_34 = tpu.memref_slice %arg3[%add3A_33] : memref<100000xi32, #tpu.memory_space<hbm>> -> memref<128xi32, #tpu.memory_space<hbm>>
    %dma_wait3A_35 = tpu.memref_slice %arg3[%add3A_33] : memref<100000xi32, #tpu.memory_space<hbm>> -> memref<128xi32, #tpu.memory_space<hbm>>
    tpu.wait_dma2 semaphore(%arg16 : memref<!tpu.dma_semaphore, #tpu.memory_space<semaphore_mem>>) src(%dma_wait3A_35 : memref<128xi32, #tpu.memory_space<hbm>>) dst(%arg12 : memref<128xi32, #tpu.memory_space<vmem>>)
    %dma_start3A_36 = arith.constant 0 : i32
    %dma_start3A_37 = arith.constant 0 : i32
    %dma_start3A_38 = tpu.memref_slice %arg8[%dma_start3A_36, %dma_start3A_37] : memref<256x128xf32, #tpu.memory_space<vmem>> -> memref<128x128xf32, #tpu.memory_space<vmem>>
    %dma_start3A_39 = arith.constant 0 : i32
    %dma_start3A_40 = arith.constant 0 : i32
    %dma_start3A_41 = tpu.memref_slice %arg15[%dma_start3A_39, %dma_start3A_40] : memref<512x128xf32, #tpu.memory_space<vmem_shared>> -> memref<512x128xf32, #tpu.memory_space<vmem_shared>>
    tpu.enqueue_indirect_dma source(%dma_start3A_38 : memref<128x128xf32, #tpu.memory_space<vmem>>) target(%dma_start3A_41 : memref<512x128xf32, #tpu.memory_space<vmem_shared>>) offsets(%arg10 : memref<128xi32, #tpu.memory_space<vmem>>) semaphore(%arg18 : memref<!tpu.dma_semaphore, #tpu.memory_space<semaphore_mem>>) {add = true}
    %dma_start3A_42 = arith.constant 128 : i32
    %dma_start3A_43 = arith.constant 0 : i32
    %dma_start3A_44 = tpu.memref_slice %arg8[%dma_start3A_42, %dma_start3A_43] : memref<256x128xf32, #tpu.memory_space<vmem>> -> memref<128x128xf32, #tpu.memory_space<vmem>>
    %dma_start3A_45 = arith.constant 0 : i32
    %dma_start3A_46 = arith.constant 0 : i32
    %dma_start3A_47 = tpu.memref_slice %arg15[%dma_start3A_45, %dma_start3A_46] : memref<512x128xf32, #tpu.memory_space<vmem_shared>> -> memref<512x128xf32, #tpu.memory_space<vmem_shared>>
    tpu.enqueue_indirect_dma source(%dma_start3A_44 : memref<128x128xf32, #tpu.memory_space<vmem>>) target(%dma_start3A_47 : memref<512x128xf32, #tpu.memory_space<vmem_shared>>) offsets(%arg12 : memref<128xi32, #tpu.memory_space<vmem>>) semaphore(%arg18 : memref<!tpu.dma_semaphore, #tpu.memory_space<semaphore_mem>>) {add = true}
    %get3A = arith.constant 0 : index
    %get3A_48 = tpu.vector_load %arg10[%get3A] {strides = array<i32>} : memref<128xi32, #tpu.memory_space<vmem>>, vector<16xi32>,
    tpu.vector_store_idx %arg14[%get3A_48], %broadcast_in_dim3A_5 {add = true} : memref<512xf32, #tpu.memory_space<vmem>>[vector<16xi32>], vector<16xf32>,
    %get3A_49 = arith.constant 16 : index
    %get3A_50 = tpu.vector_load %arg10[%get3A_49] {strides = array<i32>} : memref<128xi32, #tpu.memory_space<vmem>>, vector<16xi32>,
    tpu.vector_store_idx %arg14[%get3A_50], %broadcast_in_dim3A_5 {add = true} : memref<512xf32, #tpu.memory_space<vmem>>[vector<16xi32>], vector<16xf32>,
    %get3A_51 = arith.constant 32 : index
    %get3A_52 = tpu.vector_load %arg10[%get3A_51] {strides = array<i32>} : memref<128xi32, #tpu.memory_space<vmem>>, vector<16xi32>,
    tpu.vector_store_idx %arg14[%get3A_52], %broadcast_in_dim3A_5 {add = true} : memref<512xf32, #tpu.memory_space<vmem>>[vector<16xi32>], vector<16xf32>,
    %get3A_53 = arith.constant 48 : index
    %get3A_54 = tpu.vector_load %arg10[%get3A_53] {strides = array<i32>} : memref<128xi32, #tpu.memory_space<vmem>>, vector<16xi32>,
    tpu.vector_store_idx %arg14[%get3A_54], %broadcast_in_dim3A_5 {add = true} : memref<512xf32, #tpu.memory_space<vmem>>[vector<16xi32>], vector<16xf32>,
    %get3A_55 = arith.constant 64 : index
    %get3A_56 = tpu.vector_load %arg10[%get3A_55] {strides = array<i32>} : memref<128xi32, #tpu.memory_space<vmem>>, vector<16xi32>,
    tpu.vector_store_idx %arg14[%get3A_56], %broadcast_in_dim3A_5 {add = true} : memref<512xf32, #tpu.memory_space<vmem>>[vector<16xi32>], vector<16xf32>,
    %get3A_57 = arith.constant 80 : index
    %get3A_58 = tpu.vector_load %arg10[%get3A_57] {strides = array<i32>} : memref<128xi32, #tpu.memory_space<vmem>>, vector<16xi32>,
    tpu.vector_store_idx %arg14[%get3A_58], %broadcast_in_dim3A_5 {add = true} : memref<512xf32, #tpu.memory_space<vmem>>[vector<16xi32>], vector<16xf32>,
    %get3A_59 = arith.constant 96 : index
    %get3A_60 = tpu.vector_load %arg10[%get3A_59] {strides = array<i32>} : memref<128xi32, #tpu.memory_space<vmem>>, vector<16xi32>,
    tpu.vector_store_idx %arg14[%get3A_60], %broadcast_in_dim3A_5 {add = true} : memref<512xf32, #tpu.memory_space<vmem>>[vector<16xi32>], vector<16xf32>,
    %get3A_61 = arith.constant 112 : index
    %get3A_62 = tpu.vector_load %arg10[%get3A_61] {strides = array<i32>} : memref<128xi32, #tpu.memory_space<vmem>>, vector<16xi32>,
    tpu.vector_store_idx %arg14[%get3A_62], %broadcast_in_dim3A_5 {add = true} : memref<512xf32, #tpu.memory_space<vmem>>[vector<16xi32>], vector<16xf32>,
    %get3A_63 = arith.constant 0 : index
    %get3A_64 = tpu.vector_load %arg12[%get3A_63] {strides = array<i32>} : memref<128xi32, #tpu.memory_space<vmem>>, vector<16xi32>,
    tpu.vector_store_idx %arg14[%get3A_64], %broadcast_in_dim3A_5 {add = true} : memref<512xf32, #tpu.memory_space<vmem>>[vector<16xi32>], vector<16xf32>,
    %get3A_65 = arith.constant 16 : index
    %get3A_66 = tpu.vector_load %arg12[%get3A_65] {strides = array<i32>} : memref<128xi32, #tpu.memory_space<vmem>>, vector<16xi32>,
    tpu.vector_store_idx %arg14[%get3A_66], %broadcast_in_dim3A_5 {add = true} : memref<512xf32, #tpu.memory_space<vmem>>[vector<16xi32>], vector<16xf32>,
    %get3A_67 = arith.constant 32 : index
    %get3A_68 = tpu.vector_load %arg12[%get3A_67] {strides = array<i32>} : memref<128xi32, #tpu.memory_space<vmem>>, vector<16xi32>,
    tpu.vector_store_idx %arg14[%get3A_68], %broadcast_in_dim3A_5 {add = true} : memref<512xf32, #tpu.memory_space<vmem>>[vector<16xi32>], vector<16xf32>,
    %get3A_69 = arith.constant 48 : index
    %get3A_70 = tpu.vector_load %arg12[%get3A_69] {strides = array<i32>} : memref<128xi32, #tpu.memory_space<vmem>>, vector<16xi32>,
    tpu.vector_store_idx %arg14[%get3A_70], %broadcast_in_dim3A_5 {add = true} : memref<512xf32, #tpu.memory_space<vmem>>[vector<16xi32>], vector<16xf32>,
    %get3A_71 = arith.constant 64 : index
    %get3A_72 = tpu.vector_load %arg12[%get3A_71] {strides = array<i32>} : memref<128xi32, #tpu.memory_space<vmem>>, vector<16xi32>,
    tpu.vector_store_idx %arg14[%get3A_72], %broadcast_in_dim3A_5 {add = true} : memref<512xf32, #tpu.memory_space<vmem>>[vector<16xi32>], vector<16xf32>,
    %get3A_73 = arith.constant 80 : index
    %get3A_74 = tpu.vector_load %arg12[%get3A_73] {strides = array<i32>} : memref<128xi32, #tpu.memory_space<vmem>>, vector<16xi32>,
    tpu.vector_store_idx %arg14[%get3A_74], %broadcast_in_dim3A_5 {add = true} : memref<512xf32, #tpu.memory_space<vmem>>[vector<16xi32>], vector<16xf32>,
    %get3A_75 = arith.constant 96 : index
    %get3A_76 = tpu.vector_load %arg12[%get3A_75] {strides = array<i32>} : memref<128xi32, #tpu.memory_space<vmem>>, vector<16xi32>,
    tpu.vector_store_idx %arg14[%get3A_76], %broadcast_in_dim3A_5 {add = true} : memref<512xf32, #tpu.memory_space<vmem>>[vector<16xi32>], vector<16xf32>,
    %get3A_77 = arith.constant 112 : index
    %get3A_78 = tpu.vector_load %arg12[%get3A_77] {strides = array<i32>} : memref<128xi32, #tpu.memory_space<vmem>>, vector<16xi32>,
    tpu.vector_store_idx %arg14[%get3A_78], %broadcast_in_dim3A_5 {add = true} : memref<512xf32, #tpu.memory_space<vmem>>[vector<16xi32>], vector<16xf32>,
    %mul3A_79 = arith.constant 7 : i32
    %mul3A_80 = arith.muli %add3A, %mul3A_79 : i32
    %add3A_81 = arith.constant 1 : i32
    %add3A_82 = arith.addi %mul3A_80, %add3A_81 : i32
    %mul3A_83 = arith.constant 256 : i32
    %mul3A_84 = arith.muli %add3A_82, %mul3A_83 : i32
    %dma_start3A_85 = arith.constant 0 : i32
    %dma_start3A_86 = tpu.memref_slice %arg2[%mul3A_84, %dma_start3A_85] : memref<100000x128xf32, #tpu.memory_space<hbm>> -> memref<256x128xf32, #tpu.memory_space<hbm>>
    %dma_start3A_87 = arith.constant 0 : i32
    %dma_start3A_88 = tpu.memref_slice %arg2[%mul3A_84, %dma_start3A_87] : memref<100000x128xf32, #tpu.memory_space<hbm>> -> memref<256x128xf32, #tpu.memory_space<hbm>>
    tpu.enqueue_dma source(%dma_start3A_88 : memref<256x128xf32, #tpu.memory_space<hbm>>) target(%arg9 : memref<256x128xf32, #tpu.memory_space<vmem>>) target_semaphore(%arg17 : memref<!tpu.dma_semaphore, #tpu.memory_space<semaphore_mem>>)
    %dma_start3A_89 = tpu.memref_slice %arg3[%mul3A_84] : memref<100000xi32, #tpu.memory_space<hbm>> -> memref<128xi32, #tpu.memory_space<hbm>>
    %dma_start3A_90 = tpu.memref_slice %arg3[%mul3A_84] : memref<100000xi32, #tpu.memory_space<hbm>> -> memref<128xi32, #tpu.memory_space<hbm>>
    tpu.enqueue_dma source(%dma_start3A_90 : memref<128xi32, #tpu.memory_space<hbm>>) target(%arg11 : memref<128xi32, #tpu.memory_space<vmem>>) target_semaphore(%arg17 : memref<!tpu.dma_semaphore, #tpu.memory_space<semaphore_mem>>)
    %add3A_91 = arith.constant 128 : i32
    %add3A_92 = arith.addi %mul3A_84, %add3A_91 : i32
    %dma_start3A_93 = tpu.memref_slice %arg3[%add3A_92] : memref<100000xi32, #tpu.memory_space<hbm>> -> memref<128xi32, #tpu.memory_space<hbm>>
    %dma_start3A_94 = tpu.memref_slice %arg3[%add3A_92] : memref<100000xi32, #tpu.memory_space<hbm>> -> memref<128xi32, #tpu.memory_space<hbm>>
    tpu.enqueue_dma source(%dma_start3A_94 : memref<128xi32, #tpu.memory_space<hbm>>) target(%arg13 : memref<128xi32, #tpu.memory_space<vmem>>) target_semaphore(%arg17 : memref<!tpu.dma_semaphore, #tpu.memory_space<semaphore_mem>>)
    %mul3A_95 = arith.constant 7 : i32
    %mul3A_96 = arith.muli %add3A, %mul3A_95 : i32
    %add3A_97 = arith.constant 1 : i32
    %add3A_98 = arith.addi %mul3A_96, %add3A_97 : i32
    %mul3A_99 = arith.constant 256 : i32
    %mul3A_100 = arith.muli %add3A_98, %mul3A_99 : i32
    %dma_wait3A_101 = arith.constant 0 : i32
    %dma_wait3A_102 = tpu.memref_slice %arg2[%mul3A_100, %dma_wait3A_101] : memref<100000x128xf32, #tpu.memory_space<hbm>> -> memref<256x128xf32, #tpu.memory_space<hbm>>
    %dma_wait3A_103 = arith.constant 0 : i32
    %dma_wait3A_104 = tpu.memref_slice %arg2[%mul3A_100, %dma_wait3A_103] : memref<100000x128xf32, #tpu.memory_space<hbm>> -> memref<256x128xf32, #tpu.memory_space<hbm>>
    tpu.wait_dma2 semaphore(%arg17 : memref<!tpu.dma_semaphore, #tpu.memory_space<semaphore_mem>>) src(%dma_wait3A_104 : memref<256x128xf32, #tpu.memory_space<hbm>>) dst(%arg9 : memref<256x128xf32, #tpu.memory_space<vmem>>)
    %dma_wait3A_105 = tpu.memref_slice %arg3[%mul3A_100] : memref<100000xi32, #tpu.memory_space<hbm>> -> memref<128xi32, #tpu.memory_space<hbm>>
    %dma_wait3A_106 = tpu.memref_slice %arg3[%mul3A_100] : memref<100000xi32, #tpu.memory_space<hbm>> -> memref<128xi32, #tpu.memory_space<hbm>>
    tpu.wait_dma2 semaphore(%arg17 : memref<!tpu.dma_semaphore, #tpu.memory_space<semaphore_mem>>) src(%dma_wait3A_106 : memref<128xi32, #tpu.memory_space<hbm>>) dst(%arg11 : memref<128xi32, #tpu.memory_space<vmem>>)
    %add3A_107 = arith.constant 128 : i32
    %add3A_108 = arith.addi %mul3A_100, %add3A_107 : i32
    %dma_wait3A_109 = tpu.memref_slice %arg3[%add3A_108] : memref<100000xi32, #tpu.memory_space<hbm>> -> memref<128xi32, #tpu.memory_space<hbm>>
    %dma_wait3A_110 = tpu.memref_slice %arg3[%add3A_108] : memref<100000xi32, #tpu.memory_space<hbm>> -> memref<128xi32, #tpu.memory_space<hbm>>
    tpu.wait_dma2 semaphore(%arg17 : memref<!tpu.dma_semaphore, #tpu.memory_space<semaphore_mem>>) src(%dma_wait3A_110 : memref<128xi32, #tpu.memory_space<hbm>>) dst(%arg13 : memref<128xi32, #tpu.memory_space<vmem>>)
    %dma_start3A_111 = arith.constant 0 : i32
    %dma_start3A_112 = arith.constant 0 : i32
    %dma_start3A_113 = tpu.memref_slice %arg9[%dma_start3A_111, %dma_start3A_112] : memref<256x128xf32, #tpu.memory_space<vmem>> -> memref<128x128xf32, #tpu.memory_space<vmem>>
    %dma_start3A_114 = arith.constant 0 : i32
    %dma_start3A_115 = arith.constant 0 : i32
    %dma_start3A_116 = tpu.memref_slice %arg15[%dma_start3A_114, %dma_start3A_115] : memref<512x128xf32, #tpu.memory_space<vmem_shared>> -> memref<512x128xf32, #tpu.memory_space<vmem_shared>>
    tpu.enqueue_indirect_dma source(%dma_start3A_113 : memref<128x128xf32, #tpu.memory_space<vmem>>) target(%dma_start3A_116 : memref<512x128xf32, #tpu.memory_space<vmem_shared>>) offsets(%arg11 : memref<128xi32, #tpu.memory_space<vmem>>) semaphore(%arg19 : memref<!tpu.dma_semaphore, #tpu.memory_space<semaphore_mem>>) {add = true}
    %dma_start3A_117 = arith.constant 128 : i32
    %dma_start3A_118 = arith.constant 0 : i32
    %dma_start3A_119 = tpu.memref_slice %arg9[%dma_start3A_117, %dma_start3A_118] : memref<256x128xf32, #tpu.memory_space<vmem>> -> memref<128x128xf32, #tpu.memory_space<vmem>>
    %dma_start3A_120 = arith.constant 0 : i32
    %dma_start3A_121 = arith.constant 0 : i32
    %dma_start3A_122 = tpu.memref_slice %arg15[%dma_start3A_120, %dma_start3A_121] : memref<512x128xf32, #tpu.memory_space<vmem_shared>> -> memref<512x128xf32, #tpu.memory_space<vmem_shared>>
    tpu.enqueue_indirect_dma source(%dma_start3A_119 : memref<128x128xf32, #tpu.memory_space<vmem>>) target(%dma_start3A_122 : memref<512x128xf32, #tpu.memory_space<vmem_shared>>) offsets(%arg13 : memref<128xi32, #tpu.memory_space<vmem>>) semaphore(%arg19 : memref<!tpu.dma_semaphore, #tpu.memory_space<semaphore_mem>>) {add = true}
    %get3A_123 = arith.constant 0 : index
    %get3A_124 = tpu.vector_load %arg11[%get3A_123] {strides = array<i32>} : memref<128xi32, #tpu.memory_space<vmem>>, vector<16xi32>,
    tpu.vector_store_idx %arg14[%get3A_124], %broadcast_in_dim3A_5 {add = true} : memref<512xf32, #tpu.memory_space<vmem>>[vector<16xi32>], vector<16xf32>,
    %get3A_125 = arith.constant 16 : index
    %get3A_126 = tpu.vector_load %arg11[%get3A_125] {strides = array<i32>} : memref<128xi32, #tpu.memory_space<vmem>>, vector<16xi32>,
    tpu.vector_store_idx %arg14[%get3A_126], %broadcast_in_dim3A_5 {add = true} : memref<512xf32, #tpu.memory_space<vmem>>[vector<16xi32>], vector<16xf32>,
    %get3A_127 = arith.constant 32 : index
    %get3A_128 = tpu.vector_load %arg11[%get3A_127] {strides = array<i32>} : memref<128xi32, #tpu.memory_space<vmem>>, vector<16xi32>,
    tpu.vector_store_idx %arg14[%get3A_128], %broadcast_in_dim3A_5 {add = true} : memref<512xf32, #tpu.memory_space<vmem>>[vector<16xi32>], vector<16xf32>,
    %get3A_129 = arith.constant 48 : index
    %get3A_130 = tpu.vector_load %arg11[%get3A_129] {strides = array<i32>} : memref<128xi32, #tpu.memory_space<vmem>>, vector<16xi32>,
    tpu.vector_store_idx %arg14[%get3A_130], %broadcast_in_dim3A_5 {add = true} : memref<512xf32, #tpu.memory_space<vmem>>[vector<16xi32>], vector<16xf32>,
    %get3A_131 = arith.constant 64 : index
    %get3A_132 = tpu.vector_load %arg11[%get3A_131] {strides = array<i32>} : memref<128xi32, #tpu.memory_space<vmem>>, vector<16xi32>,
    tpu.vector_store_idx %arg14[%get3A_132], %broadcast_in_dim3A_5 {add = true} : memref<512xf32, #tpu.memory_space<vmem>>[vector<16xi32>], vector<16xf32>,
    %get3A_133 = arith.constant 80 : index
    %get3A_134 = tpu.vector_load %arg11[%get3A_133] {strides = array<i32>} : memref<128xi32, #tpu.memory_space<vmem>>, vector<16xi32>,
    tpu.vector_store_idx %arg14[%get3A_134], %broadcast_in_dim3A_5 {add = true} : memref<512xf32, #tpu.memory_space<vmem>>[vector<16xi32>], vector<16xf32>,
    %get3A_135 = arith.constant 96 : index
    %get3A_136 = tpu.vector_load %arg11[%get3A_135] {strides = array<i32>} : memref<128xi32, #tpu.memory_space<vmem>>, vector<16xi32>,
    tpu.vector_store_idx %arg14[%get3A_136], %broadcast_in_dim3A_5 {add = true} : memref<512xf32, #tpu.memory_space<vmem>>[vector<16xi32>], vector<16xf32>,
    %get3A_137 = arith.constant 112 : index
    %get3A_138 = tpu.vector_load %arg11[%get3A_137] {strides = array<i32>} : memref<128xi32, #tpu.memory_space<vmem>>, vector<16xi32>,
    tpu.vector_store_idx %arg14[%get3A_138], %broadcast_in_dim3A_5 {add = true} : memref<512xf32, #tpu.memory_space<vmem>>[vector<16xi32>], vector<16xf32>,
    %get3A_139 = arith.constant 0 : index
    %get3A_140 = tpu.vector_load %arg13[%get3A_139] {strides = array<i32>} : memref<128xi32, #tpu.memory_space<vmem>>, vector<16xi32>,
    tpu.vector_store_idx %arg14[%get3A_140], %broadcast_in_dim3A_5 {add = true} : memref<512xf32, #tpu.memory_space<vmem>>[vector<16xi32>], vector<16xf32>,
    %get3A_141 = arith.constant 16 : index
    %get3A_142 = tpu.vector_load %arg13[%get3A_141] {strides = array<i32>} : memref<128xi32, #tpu.memory_space<vmem>>, vector<16xi32>,
    tpu.vector_store_idx %arg14[%get3A_142], %broadcast_in_dim3A_5 {add = true} : memref<512xf32, #tpu.memory_space<vmem>>[vector<16xi32>], vector<16xf32>,
    %get3A_143 = arith.constant 32 : index
    %get3A_144 = tpu.vector_load %arg13[%get3A_143] {strides = array<i32>} : memref<128xi32, #tpu.memory_space<vmem>>, vector<16xi32>,
    tpu.vector_store_idx %arg14[%get3A_144], %broadcast_in_dim3A_5 {add = true} : memref<512xf32, #tpu.memory_space<vmem>>[vector<16xi32>], vector<16xf32>,
    %get3A_145 = arith.constant 48 : index
    %get3A_146 = tpu.vector_load %arg13[%get3A_145] {strides = array<i32>} : memref<128xi32, #tpu.memory_space<vmem>>, vector<16xi32>,
    tpu.vector_store_idx %arg14[%get3A_146], %broadcast_in_dim3A_5 {add = true} : memref<512xf32, #tpu.memory_space<vmem>>[vector<16xi32>], vector<16xf32>,
    %get3A_147 = arith.constant 64 : index
    %get3A_148 = tpu.vector_load %arg13[%get3A_147] {strides = array<i32>} : memref<128xi32, #tpu.memory_space<vmem>>, vector<16xi32>,
    tpu.vector_store_idx %arg14[%get3A_148], %broadcast_in_dim3A_5 {add = true} : memref<512xf32, #tpu.memory_space<vmem>>[vector<16xi32>], vector<16xf32>,
    %get3A_149 = arith.constant 80 : index
    %get3A_150 = tpu.vector_load %arg13[%get3A_149] {strides = array<i32>} : memref<128xi32, #tpu.memory_space<vmem>>, vector<16xi32>,
    tpu.vector_store_idx %arg14[%get3A_150], %broadcast_in_dim3A_5 {add = true} : memref<512xf32, #tpu.memory_space<vmem>>[vector<16xi32>], vector<16xf32>,
    %get3A_151 = arith.constant 96 : index
    %get3A_152 = tpu.vector_load %arg13[%get3A_151] {strides = array<i32>} : memref<128xi32, #tpu.memory_space<vmem>>, vector<16xi32>,
    tpu.vector_store_idx %arg14[%get3A_152], %broadcast_in_dim3A_5 {add = true} : memref<512xf32, #tpu.memory_space<vmem>>[vector<16xi32>], vector<16xf32>,
    %get3A_153 = arith.constant 112 : index
    %get3A_154 = tpu.vector_load %arg13[%get3A_153] {strides = array<i32>} : memref<128xi32, #tpu.memory_space<vmem>>, vector<16xi32>,
    tpu.vector_store_idx %arg14[%get3A_154], %broadcast_in_dim3A_5 {add = true} : memref<512xf32, #tpu.memory_space<vmem>>[vector<16xi32>], vector<16xf32>,
    %dma_wait3A_155 = arith.constant 0 : i32
    %dma_wait3A_156 = arith.constant 0 : i32
    %dma_wait3A_157 = tpu.memref_slice %arg8[%dma_wait3A_155, %dma_wait3A_156] : memref<256x128xf32, #tpu.memory_space<vmem>> -> memref<128x128xf32, #tpu.memory_space<vmem>>
    %dma_wait3A_158 = arith.constant 0 : i32
    %dma_wait3A_159 = arith.constant 0 : i32
    %dma_wait3A_160 = tpu.memref_slice %arg15[%dma_wait3A_158, %dma_wait3A_159] : memref<512x128xf32, #tpu.memory_space<vmem_shared>> -> memref<512x128xf32, #tpu.memory_space<vmem_shared>>
    tpu.wait_indirect_dma semaphore(%arg18 : memref<!tpu.dma_semaphore, #tpu.memory_space<semaphore_mem>>) src(%dma_wait3A_157 : memref<128x128xf32, #tpu.memory_space<vmem>>) dst(%dma_wait3A_160 : memref<512x128xf32, #tpu.memory_space<vmem_shared>>)
    %dma_wait3A_161 = arith.constant 128 : i32
    %dma_wait3A_162 = arith.constant 0 : i32
    %dma_wait3A_163 = tpu.memref_slice %arg8[%dma_wait3A_161, %dma_wait3A_162] : memref<256x128xf32, #tpu.memory_space<vmem>> -> memref<128x128xf32, #tpu.memory_space<vmem>>
    %dma_wait3A_164 = arith.constant 0 : i32
    %dma_wait3A_165 = arith.constant 0 : i32
    %dma_wait3A_166 = tpu.memref_slice %arg15[%dma_wait3A_164, %dma_wait3A_165] : memref<512x128xf32, #tpu.memory_space<vmem_shared>> -> memref<512x128xf32, #tpu.memory_space<vmem_shared>>
    tpu.wait_indirect_dma semaphore(%arg18 : memref<!tpu.dma_semaphore, #tpu.memory_space<semaphore_mem>>) src(%dma_wait3A_163 : memref<128x128xf32, #tpu.memory_space<vmem>>) dst(%dma_wait3A_166 : memref<512x128xf32, #tpu.memory_space<vmem_shared>>)
    %mul3A_167 = arith.constant 7 : i32
    %mul3A_168 = arith.muli %add3A, %mul3A_167 : i32
    %add3A_169 = arith.constant 2 : i32
    %add3A_170 = arith.addi %mul3A_168, %add3A_169 : i32
    %mul3A_171 = arith.constant 256 : i32
    %mul3A_172 = arith.muli %add3A_170, %mul3A_171 : i32
    %dma_start3A_173 = arith.constant 0 : i32
    %dma_start3A_174 = tpu.memref_slice %arg2[%mul3A_172, %dma_start3A_173] : memref<100000x128xf32, #tpu.memory_space<hbm>> -> memref<256x128xf32, #tpu.memory_space<hbm>>
    %dma_start3A_175 = arith.constant 0 : i32
    %dma_start3A_176 = tpu.memref_slice %arg2[%mul3A_172, %dma_start3A_175] : memref<100000x128xf32, #tpu.memory_space<hbm>> -> memref<256x128xf32, #tpu.memory_space<hbm>>
    tpu.enqueue_dma source(%dma_start3A_176 : memref<256x128xf32, #tpu.memory_space<hbm>>) target(%arg8 : memref<256x128xf32, #tpu.memory_space<vmem>>) target_semaphore(%arg16 : memref<!tpu.dma_semaphore, #tpu.memory_space<semaphore_mem>>)
    %dma_start3A_177 = tpu.memref_slice %arg3[%mul3A_172] : memref<100000xi32, #tpu.memory_space<hbm>> -> memref<128xi32, #tpu.memory_space<hbm>>
    %dma_start3A_178 = tpu.memref_slice %arg3[%mul3A_172] : memref<100000xi32, #tpu.memory_space<hbm>> -> memref<128xi32, #tpu.memory_space<hbm>>
    tpu.enqueue_dma source(%dma_start3A_178 : memref<128xi32, #tpu.memory_space<hbm>>) target(%arg10 : memref<128xi32, #tpu.memory_space<vmem>>) target_semaphore(%arg16 : memref<!tpu.dma_semaphore, #tpu.memory_space<semaphore_mem>>)
    %add3A_179 = arith.constant 128 : i32
    %add3A_180 = arith.addi %mul3A_172, %add3A_179 : i32
    %dma_start3A_181 = tpu.memref_slice %arg3[%add3A_180] : memref<100000xi32, #tpu.memory_space<hbm>> -> memref<128xi32, #tpu.memory_space<hbm>>
    %dma_start3A_182 = tpu.memref_slice %arg3[%add3A_180] : memref<100000xi32, #tpu.memory_space<hbm>> -> memref<128xi32, #tpu.memory_space<hbm>>
    tpu.enqueue_dma source(%dma_start3A_182 : memref<128xi32, #tpu.memory_space<hbm>>) target(%arg12 : memref<128xi32, #tpu.memory_space<vmem>>) target_semaphore(%arg16 : memref<!tpu.dma_semaphore, #tpu.memory_space<semaphore_mem>>)
    %mul3A_183 = arith.constant 7 : i32
    %mul3A_184 = arith.muli %add3A, %mul3A_183 : i32
    %add3A_185 = arith.constant 2 : i32
    %add3A_186 = arith.addi %mul3A_184, %add3A_185 : i32
    %mul3A_187 = arith.constant 256 : i32
    %mul3A_188 = arith.muli %add3A_186, %mul3A_187 : i32
    %dma_wait3A_189 = arith.constant 0 : i32
    %dma_wait3A_190 = tpu.memref_slice %arg2[%mul3A_188, %dma_wait3A_189] : memref<100000x128xf32, #tpu.memory_space<hbm>> -> memref<256x128xf32, #tpu.memory_space<hbm>>
    %dma_wait3A_191 = arith.constant 0 : i32
    %dma_wait3A_192 = tpu.memref_slice %arg2[%mul3A_188, %dma_wait3A_191] : memref<100000x128xf32, #tpu.memory_space<hbm>> -> memref<256x128xf32, #tpu.memory_space<hbm>>
    tpu.wait_dma2 semaphore(%arg16 : memref<!tpu.dma_semaphore, #tpu.memory_space<semaphore_mem>>) src(%dma_wait3A_192 : memref<256x128xf32, #tpu.memory_space<hbm>>) dst(%arg8 : memref<256x128xf32, #tpu.memory_space<vmem>>)
    %dma_wait3A_193 = tpu.memref_slice %arg3[%mul3A_188] : memref<100000xi32, #tpu.memory_space<hbm>> -> memref<128xi32, #tpu.memory_space<hbm>>
    %dma_wait3A_194 = tpu.memref_slice %arg3[%mul3A_188] : memref<100000xi32, #tpu.memory_space<hbm>> -> memref<128xi32, #tpu.memory_space<hbm>>
    tpu.wait_dma2 semaphore(%arg16 : memref<!tpu.dma_semaphore, #tpu.memory_space<semaphore_mem>>) src(%dma_wait3A_194 : memref<128xi32, #tpu.memory_space<hbm>>) dst(%arg10 : memref<128xi32, #tpu.memory_space<vmem>>)
    %add3A_195 = arith.constant 128 : i32
    %add3A_196 = arith.addi %mul3A_188, %add3A_195 : i32
    %dma_wait3A_197 = tpu.memref_slice %arg3[%add3A_196] : memref<100000xi32, #tpu.memory_space<hbm>> -> memref<128xi32, #tpu.memory_space<hbm>>
    %dma_wait3A_198 = tpu.memref_slice %arg3[%add3A_196] : memref<100000xi32, #tpu.memory_space<hbm>> -> memref<128xi32, #tpu.memory_space<hbm>>
    tpu.wait_dma2 semaphore(%arg16 : memref<!tpu.dma_semaphore, #tpu.memory_space<semaphore_mem>>) src(%dma_wait3A_198 : memref<128xi32, #tpu.memory_space<hbm>>) dst(%arg12 : memref<128xi32, #tpu.memory_space<vmem>>)
    %dma_start3A_199 = arith.constant 0 : i32
    %dma_start3A_200 = arith.constant 0 : i32
    %dma_start3A_201 = tpu.memref_slice %arg8[%dma_start3A_199, %dma_start3A_200] : memref<256x128xf32, #tpu.memory_space<vmem>> -> memref<128x128xf32, #tpu.memory_space<vmem>>
    %dma_start3A_202 = arith.constant 0 : i32
    %dma_start3A_203 = arith.constant 0 : i32
    %dma_start3A_204 = tpu.memref_slice %arg15[%dma_start3A_202, %dma_start3A_203] : memref<512x128xf32, #tpu.memory_space<vmem_shared>> -> memref<512x128xf32, #tpu.memory_space<vmem_shared>>
    tpu.enqueue_indirect_dma source(%dma_start3A_201 : memref<128x128xf32, #tpu.memory_space<vmem>>) target(%dma_start3A_204 : memref<512x128xf32, #tpu.memory_space<vmem_shared>>) offsets(%arg10 : memref<128xi32, #tpu.memory_space<vmem>>) semaphore(%arg18 : memref<!tpu.dma_semaphore, #tpu.memory_space<semaphore_mem>>) {add = true}
    %dma_start3A_205 = arith.constant 128 : i32
    %dma_start3A_206 = arith.constant 0 : i32
    %dma_start3A_207 = tpu.memref_slice %arg8[%dma_start3A_205, %dma_start3A_206] : memref<256x128xf32, #tpu.memory_space<vmem>> -> memref<128x128xf32, #tpu.memory_space<vmem>>
    %dma_start3A_208 = arith.constant 0 : i32
    %dma_start3A_209 = arith.constant 0 : i32
    %dma_start3A_210 = tpu.memref_slice %arg15[%dma_start3A_208, %dma_start3A_209] : memref<512x128xf32, #tpu.memory_space<vmem_shared>> -> memref<512x128xf32, #tpu.memory_space<vmem_shared>>
    tpu.enqueue_indirect_dma source(%dma_start3A_207 : memref<128x128xf32, #tpu.memory_space<vmem>>) target(%dma_start3A_210 : memref<512x128xf32, #tpu.memory_space<vmem_shared>>) offsets(%arg12 : memref<128xi32, #tpu.memory_space<vmem>>) semaphore(%arg18 : memref<!tpu.dma_semaphore, #tpu.memory_space<semaphore_mem>>) {add = true}
    %get3A_211 = arith.constant 0 : index
    %get3A_212 = tpu.vector_load %arg10[%get3A_211] {strides = array<i32>} : memref<128xi32, #tpu.memory_space<vmem>>, vector<16xi32>,
    tpu.vector_store_idx %arg14[%get3A_212], %broadcast_in_dim3A_5 {add = true} : memref<512xf32, #tpu.memory_space<vmem>>[vector<16xi32>], vector<16xf32>,
    %get3A_213 = arith.constant 16 : index
    %get3A_214 = tpu.vector_load %arg10[%get3A_213] {strides = array<i32>} : memref<128xi32, #tpu.memory_space<vmem>>, vector<16xi32>,
    tpu.vector_store_idx %arg14[%get3A_214], %broadcast_in_dim3A_5 {add = true} : memref<512xf32, #tpu.memory_space<vmem>>[vector<16xi32>], vector<16xf32>,
    %get3A_215 = arith.constant 32 : index
    %get3A_216 = tpu.vector_load %arg10[%get3A_215] {strides = array<i32>} : memref<128xi32, #tpu.memory_space<vmem>>, vector<16xi32>,
    tpu.vector_store_idx %arg14[%get3A_216], %broadcast_in_dim3A_5 {add = true} : memref<512xf32, #tpu.memory_space<vmem>>[vector<16xi32>], vector<16xf32>,
    %get3A_217 = arith.constant 48 : index
    %get3A_218 = tpu.vector_load %arg10[%get3A_217] {strides = array<i32>} : memref<128xi32, #tpu.memory_space<vmem>>, vector<16xi32>,
    tpu.vector_store_idx %arg14[%get3A_218], %broadcast_in_dim3A_5 {add = true} : memref<512xf32, #tpu.memory_space<vmem>>[vector<16xi32>], vector<16xf32>,
    %get3A_219 = arith.constant 64 : index
    %get3A_220 = tpu.vector_load %arg10[%get3A_219] {strides = array<i32>} : memref<128xi32, #tpu.memory_space<vmem>>, vector<16xi32>,
    tpu.vector_store_idx %arg14[%get3A_220], %broadcast_in_dim3A_5 {add = true} : memref<512xf32, #tpu.memory_space<vmem>>[vector<16xi32>], vector<16xf32>,
    %get3A_221 = arith.constant 80 : index
    %get3A_222 = tpu.vector_load %arg10[%get3A_221] {strides = array<i32>} : memref<128xi32, #tpu.memory_space<vmem>>, vector<16xi32>,
    tpu.vector_store_idx %arg14[%get3A_222], %broadcast_in_dim3A_5 {add = true} : memref<512xf32, #tpu.memory_space<vmem>>[vector<16xi32>], vector<16xf32>,
    %get3A_223 = arith.constant 96 : index
    %get3A_224 = tpu.vector_load %arg10[%get3A_223] {strides = array<i32>} : memref<128xi32, #tpu.memory_space<vmem>>, vector<16xi32>,
    tpu.vector_store_idx %arg14[%get3A_224], %broadcast_in_dim3A_5 {add = true} : memref<512xf32, #tpu.memory_space<vmem>>[vector<16xi32>], vector<16xf32>,
    %get3A_225 = arith.constant 112 : index
    %get3A_226 = tpu.vector_load %arg10[%get3A_225] {strides = array<i32>} : memref<128xi32, #tpu.memory_space<vmem>>, vector<16xi32>,
    tpu.vector_store_idx %arg14[%get3A_226], %broadcast_in_dim3A_5 {add = true} : memref<512xf32, #tpu.memory_space<vmem>>[vector<16xi32>], vector<16xf32>,
    %get3A_227 = arith.constant 0 : index
    %get3A_228 = tpu.vector_load %arg12[%get3A_227] {strides = array<i32>} : memref<128xi32, #tpu.memory_space<vmem>>, vector<16xi32>,
    tpu.vector_store_idx %arg14[%get3A_228], %broadcast_in_dim3A_5 {add = true} : memref<512xf32, #tpu.memory_space<vmem>>[vector<16xi32>], vector<16xf32>,
    %get3A_229 = arith.constant 16 : index
    %get3A_230 = tpu.vector_load %arg12[%get3A_229] {strides = array<i32>} : memref<128xi32, #tpu.memory_space<vmem>>, vector<16xi32>,
    tpu.vector_store_idx %arg14[%get3A_230], %broadcast_in_dim3A_5 {add = true} : memref<512xf32, #tpu.memory_space<vmem>>[vector<16xi32>], vector<16xf32>,
    %get3A_231 = arith.constant 32 : index
    %get3A_232 = tpu.vector_load %arg12[%get3A_231] {strides = array<i32>} : memref<128xi32, #tpu.memory_space<vmem>>, vector<16xi32>,
    tpu.vector_store_idx %arg14[%get3A_232], %broadcast_in_dim3A_5 {add = true} : memref<512xf32, #tpu.memory_space<vmem>>[vector<16xi32>], vector<16xf32>,
    %get3A_233 = arith.constant 48 : index
    %get3A_234 = tpu.vector_load %arg12[%get3A_233] {strides = array<i32>} : memref<128xi32, #tpu.memory_space<vmem>>, vector<16xi32>,
    tpu.vector_store_idx %arg14[%get3A_234], %broadcast_in_dim3A_5 {add = true} : memref<512xf32, #tpu.memory_space<vmem>>[vector<16xi32>], vector<16xf32>,
    %get3A_235 = arith.constant 64 : index
    %get3A_236 = tpu.vector_load %arg12[%get3A_235] {strides = array<i32>} : memref<128xi32, #tpu.memory_space<vmem>>, vector<16xi32>,
    tpu.vector_store_idx %arg14[%get3A_236], %broadcast_in_dim3A_5 {add = true} : memref<512xf32, #tpu.memory_space<vmem>>[vector<16xi32>], vector<16xf32>,
    %get3A_237 = arith.constant 80 : index
    %get3A_238 = tpu.vector_load %arg12[%get3A_237] {strides = array<i32>} : memref<128xi32, #tpu.memory_space<vmem>>, vector<16xi32>,
    tpu.vector_store_idx %arg14[%get3A_238], %broadcast_in_dim3A_5 {add = true} : memref<512xf32, #tpu.memory_space<vmem>>[vector<16xi32>], vector<16xf32>,
    %get3A_239 = arith.constant 96 : index
    %get3A_240 = tpu.vector_load %arg12[%get3A_239] {strides = array<i32>} : memref<128xi32, #tpu.memory_space<vmem>>, vector<16xi32>,
    tpu.vector_store_idx %arg14[%get3A_240], %broadcast_in_dim3A_5 {add = true} : memref<512xf32, #tpu.memory_space<vmem>>[vector<16xi32>], vector<16xf32>,
    %get3A_241 = arith.constant 112 : index
    %get3A_242 = tpu.vector_load %arg12[%get3A_241] {strides = array<i32>} : memref<128xi32, #tpu.memory_space<vmem>>, vector<16xi32>,
    tpu.vector_store_idx %arg14[%get3A_242], %broadcast_in_dim3A_5 {add = true} : memref<512xf32, #tpu.memory_space<vmem>>[vector<16xi32>], vector<16xf32>,
    %dma_wait3A_243 = arith.constant 0 : i32
    %dma_wait3A_244 = arith.constant 0 : i32
    %dma_wait3A_245 = tpu.memref_slice %arg9[%dma_wait3A_243, %dma_wait3A_244] : memref<256x128xf32, #tpu.memory_space<vmem>> -> memref<128x128xf32, #tpu.memory_space<vmem>>
    %dma_wait3A_246 = arith.constant 0 : i32
    %dma_wait3A_247 = arith.constant 0 : i32
    %dma_wait3A_248 = tpu.memref_slice %arg15[%dma_wait3A_246, %dma_wait3A_247] : memref<512x128xf32, #tpu.memory_space<vmem_shared>> -> memref<512x128xf32, #tpu.memory_space<vmem_shared>>
    tpu.wait_indirect_dma semaphore(%arg19 : memref<!tpu.dma_semaphore, #tpu.memory_space<semaphore_mem>>) src(%dma_wait3A_245 : memref<128x128xf32, #tpu.memory_space<vmem>>) dst(%dma_wait3A_248 : memref<512x128xf32, #tpu.memory_space<vmem_shared>>)
    %dma_wait3A_249 = arith.constant 128 : i32
    %dma_wait3A_250 = arith.constant 0 : i32
    %dma_wait3A_251 = tpu.memref_slice %arg9[%dma_wait3A_249, %dma_wait3A_250] : memref<256x128xf32, #tpu.memory_space<vmem>> -> memref<128x128xf32, #tpu.memory_space<vmem>>
    %dma_wait3A_252 = arith.constant 0 : i32
    %dma_wait3A_253 = arith.constant 0 : i32
    %dma_wait3A_254 = tpu.memref_slice %arg15[%dma_wait3A_252, %dma_wait3A_253] : memref<512x128xf32, #tpu.memory_space<vmem_shared>> -> memref<512x128xf32, #tpu.memory_space<vmem_shared>>
    tpu.wait_indirect_dma semaphore(%arg19 : memref<!tpu.dma_semaphore, #tpu.memory_space<semaphore_mem>>) src(%dma_wait3A_251 : memref<128x128xf32, #tpu.memory_space<vmem>>) dst(%dma_wait3A_254 : memref<512x128xf32, #tpu.memory_space<vmem_shared>>)
    %mul3A_255 = arith.constant 7 : i32
    %mul3A_256 = arith.muli %add3A, %mul3A_255 : i32
    %add3A_257 = arith.constant 3 : i32
    %add3A_258 = arith.addi %mul3A_256, %add3A_257 : i32
    %mul3A_259 = arith.constant 256 : i32
    %mul3A_260 = arith.muli %add3A_258, %mul3A_259 : i32
    %dma_start3A_261 = arith.constant 0 : i32
    %dma_start3A_262 = tpu.memref_slice %arg2[%mul3A_260, %dma_start3A_261] : memref<100000x128xf32, #tpu.memory_space<hbm>> -> memref<256x128xf32, #tpu.memory_space<hbm>>
    %dma_start3A_263 = arith.constant 0 : i32
    %dma_start3A_264 = tpu.memref_slice %arg2[%mul3A_260, %dma_start3A_263] : memref<100000x128xf32, #tpu.memory_space<hbm>> -> memref<256x128xf32, #tpu.memory_space<hbm>>
    tpu.enqueue_dma source(%dma_start3A_264 : memref<256x128xf32, #tpu.memory_space<hbm>>) target(%arg9 : memref<256x128xf32, #tpu.memory_space<vmem>>) target_semaphore(%arg17 : memref<!tpu.dma_semaphore, #tpu.memory_space<semaphore_mem>>)
    %dma_start3A_265 = tpu.memref_slice %arg3[%mul3A_260] : memref<100000xi32, #tpu.memory_space<hbm>> -> memref<128xi32, #tpu.memory_space<hbm>>
    %dma_start3A_266 = tpu.memref_slice %arg3[%mul3A_260] : memref<100000xi32, #tpu.memory_space<hbm>> -> memref<128xi32, #tpu.memory_space<hbm>>
    tpu.enqueue_dma source(%dma_start3A_266 : memref<128xi32, #tpu.memory_space<hbm>>) target(%arg11 : memref<128xi32, #tpu.memory_space<vmem>>) target_semaphore(%arg17 : memref<!tpu.dma_semaphore, #tpu.memory_space<semaphore_mem>>)
    %add3A_267 = arith.constant 128 : i32
    %add3A_268 = arith.addi %mul3A_260, %add3A_267 : i32
    %dma_start3A_269 = tpu.memref_slice %arg3[%add3A_268] : memref<100000xi32, #tpu.memory_space<hbm>> -> memref<128xi32, #tpu.memory_space<hbm>>
    %dma_start3A_270 = tpu.memref_slice %arg3[%add3A_268] : memref<100000xi32, #tpu.memory_space<hbm>> -> memref<128xi32, #tpu.memory_space<hbm>>
    tpu.enqueue_dma source(%dma_start3A_270 : memref<128xi32, #tpu.memory_space<hbm>>) target(%arg13 : memref<128xi32, #tpu.memory_space<vmem>>) target_semaphore(%arg17 : memref<!tpu.dma_semaphore, #tpu.memory_space<semaphore_mem>>)
    %mul3A_271 = arith.constant 7 : i32
    %mul3A_272 = arith.muli %add3A, %mul3A_271 : i32
    %add3A_273 = arith.constant 3 : i32
    %add3A_274 = arith.addi %mul3A_272, %add3A_273 : i32
    %mul3A_275 = arith.constant 256 : i32
    %mul3A_276 = arith.muli %add3A_274, %mul3A_275 : i32
    %dma_wait3A_277 = arith.constant 0 : i32
    %dma_wait3A_278 = tpu.memref_slice %arg2[%mul3A_276, %dma_wait3A_277] : memref<100000x128xf32, #tpu.memory_space<hbm>> -> memref<256x128xf32, #tpu.memory_space<hbm>>
    %dma_wait3A_279 = arith.constant 0 : i32
    %dma_wait3A_280 = tpu.memref_slice %arg2[%mul3A_276, %dma_wait3A_279] : memref<100000x128xf32, #tpu.memory_space<hbm>> -> memref<256x128xf32, #tpu.memory_space<hbm>>
    tpu.wait_dma2 semaphore(%arg17 : memref<!tpu.dma_semaphore, #tpu.memory_space<semaphore_mem>>) src(%dma_wait3A_280 : memref<256x128xf32, #tpu.memory_space<hbm>>) dst(%arg9 : memref<256x128xf32, #tpu.memory_space<vmem>>)
    %dma_wait3A_281 = tpu.memref_slice %arg3[%mul3A_276] : memref<100000xi32, #tpu.memory_space<hbm>> -> memref<128xi32, #tpu.memory_space<hbm>>
    %dma_wait3A_282 = tpu.memref_slice %arg3[%mul3A_276] : memref<100000xi32, #tpu.memory_space<hbm>> -> memref<128xi32, #tpu.memory_space<hbm>>
    tpu.wait_dma2 semaphore(%arg17 : memref<!tpu.dma_semaphore, #tpu.memory_space<semaphore_mem>>) src(%dma_wait3A_282 : memref<128xi32, #tpu.memory_space<hbm>>) dst(%arg11 : memref<128xi32, #tpu.memory_space<vmem>>)
    %add3A_283 = arith.constant 128 : i32
    %add3A_284 = arith.addi %mul3A_276, %add3A_283 : i32
    %dma_wait3A_285 = tpu.memref_slice %arg3[%add3A_284] : memref<100000xi32, #tpu.memory_space<hbm>> -> memref<128xi32, #tpu.memory_space<hbm>>
    %dma_wait3A_286 = tpu.memref_slice %arg3[%add3A_284] : memref<100000xi32, #tpu.memory_space<hbm>> -> memref<128xi32, #tpu.memory_space<hbm>>
    tpu.wait_dma2 semaphore(%arg17 : memref<!tpu.dma_semaphore, #tpu.memory_space<semaphore_mem>>) src(%dma_wait3A_286 : memref<128xi32, #tpu.memory_space<hbm>>) dst(%arg13 : memref<128xi32, #tpu.memory_space<vmem>>)
    %dma_start3A_287 = arith.constant 0 : i32
    %dma_start3A_288 = arith.constant 0 : i32
    %dma_start3A_289 = tpu.memref_slice %arg9[%dma_start3A_287, %dma_start3A_288] : memref<256x128xf32, #tpu.memory_space<vmem>> -> memref<128x128xf32, #tpu.memory_space<vmem>>
    %dma_start3A_290 = arith.constant 0 : i32
    %dma_start3A_291 = arith.constant 0 : i32
    %dma_start3A_292 = tpu.memref_slice %arg15[%dma_start3A_290, %dma_start3A_291] : memref<512x128xf32, #tpu.memory_space<vmem_shared>> -> memref<512x128xf32, #tpu.memory_space<vmem_shared>>
    tpu.enqueue_indirect_dma source(%dma_start3A_289 : memref<128x128xf32, #tpu.memory_space<vmem>>) target(%dma_start3A_292 : memref<512x128xf32, #tpu.memory_space<vmem_shared>>) offsets(%arg11 : memref<128xi32, #tpu.memory_space<vmem>>) semaphore(%arg19 : memref<!tpu.dma_semaphore, #tpu.memory_space<semaphore_mem>>) {add = true}
    %dma_start3A_293 = arith.constant 128 : i32
    %dma_start3A_294 = arith.constant 0 : i32
    %dma_start3A_295 = tpu.memref_slice %arg9[%dma_start3A_293, %dma_start3A_294] : memref<256x128xf32, #tpu.memory_space<vmem>> -> memref<128x128xf32, #tpu.memory_space<vmem>>
    %dma_start3A_296 = arith.constant 0 : i32
    %dma_start3A_297 = arith.constant 0 : i32
    %dma_start3A_298 = tpu.memref_slice %arg15[%dma_start3A_296, %dma_start3A_297] : memref<512x128xf32, #tpu.memory_space<vmem_shared>> -> memref<512x128xf32, #tpu.memory_space<vmem_shared>>
    tpu.enqueue_indirect_dma source(%dma_start3A_295 : memref<128x128xf32, #tpu.memory_space<vmem>>) target(%dma_start3A_298 : memref<512x128xf32, #tpu.memory_space<vmem_shared>>) offsets(%arg13 : memref<128xi32, #tpu.memory_space<vmem>>) semaphore(%arg19 : memref<!tpu.dma_semaphore, #tpu.memory_space<semaphore_mem>>) {add = true}
    %get3A_299 = arith.constant 0 : index
    %get3A_300 = tpu.vector_load %arg11[%get3A_299] {strides = array<i32>} : memref<128xi32, #tpu.memory_space<vmem>>, vector<16xi32>,
    tpu.vector_store_idx %arg14[%get3A_300], %broadcast_in_dim3A_5 {add = true} : memref<512xf32, #tpu.memory_space<vmem>>[vector<16xi32>], vector<16xf32>,
    %get3A_301 = arith.constant 16 : index
    %get3A_302 = tpu.vector_load %arg11[%get3A_301] {strides = array<i32>} : memref<128xi32, #tpu.memory_space<vmem>>, vector<16xi32>,
    tpu.vector_store_idx %arg14[%get3A_302], %broadcast_in_dim3A_5 {add = true} : memref<512xf32, #tpu.memory_space<vmem>>[vector<16xi32>], vector<16xf32>,
    %get3A_303 = arith.constant 32 : index
    %get3A_304 = tpu.vector_load %arg11[%get3A_303] {strides = array<i32>} : memref<128xi32, #tpu.memory_space<vmem>>, vector<16xi32>,
    tpu.vector_store_idx %arg14[%get3A_304], %broadcast_in_dim3A_5 {add = true} : memref<512xf32, #tpu.memory_space<vmem>>[vector<16xi32>], vector<16xf32>,
    %get3A_305 = arith.constant 48 : index
    %get3A_306 = tpu.vector_load %arg11[%get3A_305] {strides = array<i32>} : memref<128xi32, #tpu.memory_space<vmem>>, vector<16xi32>,
    tpu.vector_store_idx %arg14[%get3A_306], %broadcast_in_dim3A_5 {add = true} : memref<512xf32, #tpu.memory_space<vmem>>[vector<16xi32>], vector<16xf32>,
    %get3A_307 = arith.constant 64 : index
    %get3A_308 = tpu.vector_load %arg11[%get3A_307] {strides = array<i32>} : memref<128xi32, #tpu.memory_space<vmem>>, vector<16xi32>,
    tpu.vector_store_idx %arg14[%get3A_308], %broadcast_in_dim3A_5 {add = true} : memref<512xf32, #tpu.memory_space<vmem>>[vector<16xi32>], vector<16xf32>,
    %get3A_309 = arith.constant 80 : index
    %get3A_310 = tpu.vector_load %arg11[%get3A_309] {strides = array<i32>} : memref<128xi32, #tpu.memory_space<vmem>>, vector<16xi32>,
    tpu.vector_store_idx %arg14[%get3A_310], %broadcast_in_dim3A_5 {add = true} : memref<512xf32, #tpu.memory_space<vmem>>[vector<16xi32>], vector<16xf32>,
    %get3A_311 = arith.constant 96 : index
    %get3A_312 = tpu.vector_load %arg11[%get3A_311] {strides = array<i32>} : memref<128xi32, #tpu.memory_space<vmem>>, vector<16xi32>,
    tpu.vector_store_idx %arg14[%get3A_312], %broadcast_in_dim3A_5 {add = true} : memref<512xf32, #tpu.memory_space<vmem>>[vector<16xi32>], vector<16xf32>,
    %get3A_313 = arith.constant 112 : index
    %get3A_314 = tpu.vector_load %arg11[%get3A_313] {strides = array<i32>} : memref<128xi32, #tpu.memory_space<vmem>>, vector<16xi32>,
    tpu.vector_store_idx %arg14[%get3A_314], %broadcast_in_dim3A_5 {add = true} : memref<512xf32, #tpu.memory_space<vmem>>[vector<16xi32>], vector<16xf32>,
    %get3A_315 = arith.constant 0 : index
    %get3A_316 = tpu.vector_load %arg13[%get3A_315] {strides = array<i32>} : memref<128xi32, #tpu.memory_space<vmem>>, vector<16xi32>,
    tpu.vector_store_idx %arg14[%get3A_316], %broadcast_in_dim3A_5 {add = true} : memref<512xf32, #tpu.memory_space<vmem>>[vector<16xi32>], vector<16xf32>,
    %get3A_317 = arith.constant 16 : index
    %get3A_318 = tpu.vector_load %arg13[%get3A_317] {strides = array<i32>} : memref<128xi32, #tpu.memory_space<vmem>>, vector<16xi32>,
    tpu.vector_store_idx %arg14[%get3A_318], %broadcast_in_dim3A_5 {add = true} : memref<512xf32, #tpu.memory_space<vmem>>[vector<16xi32>], vector<16xf32>,
    %get3A_319 = arith.constant 32 : index
    %get3A_320 = tpu.vector_load %arg13[%get3A_319] {strides = array<i32>} : memref<128xi32, #tpu.memory_space<vmem>>, vector<16xi32>,
    tpu.vector_store_idx %arg14[%get3A_320], %broadcast_in_dim3A_5 {add = true} : memref<512xf32, #tpu.memory_space<vmem>>[vector<16xi32>], vector<16xf32>,
    %get3A_321 = arith.constant 48 : index
    %get3A_322 = tpu.vector_load %arg13[%get3A_321] {strides = array<i32>} : memref<128xi32, #tpu.memory_space<vmem>>, vector<16xi32>,
    tpu.vector_store_idx %arg14[%get3A_322], %broadcast_in_dim3A_5 {add = true} : memref<512xf32, #tpu.memory_space<vmem>>[vector<16xi32>], vector<16xf32>,
    %get3A_323 = arith.constant 64 : index
    %get3A_324 = tpu.vector_load %arg13[%get3A_323] {strides = array<i32>} : memref<128xi32, #tpu.memory_space<vmem>>, vector<16xi32>,
    tpu.vector_store_idx %arg14[%get3A_324], %broadcast_in_dim3A_5 {add = true} : memref<512xf32, #tpu.memory_space<vmem>>[vector<16xi32>], vector<16xf32>,
    %get3A_325 = arith.constant 80 : index
    %get3A_326 = tpu.vector_load %arg13[%get3A_325] {strides = array<i32>} : memref<128xi32, #tpu.memory_space<vmem>>, vector<16xi32>,
    tpu.vector_store_idx %arg14[%get3A_326], %broadcast_in_dim3A_5 {add = true} : memref<512xf32, #tpu.memory_space<vmem>>[vector<16xi32>], vector<16xf32>,
    %get3A_327 = arith.constant 96 : index
    %get3A_328 = tpu.vector_load %arg13[%get3A_327] {strides = array<i32>} : memref<128xi32, #tpu.memory_space<vmem>>, vector<16xi32>,
    tpu.vector_store_idx %arg14[%get3A_328], %broadcast_in_dim3A_5 {add = true} : memref<512xf32, #tpu.memory_space<vmem>>[vector<16xi32>], vector<16xf32>,
    %get3A_329 = arith.constant 112 : index
    %get3A_330 = tpu.vector_load %arg13[%get3A_329] {strides = array<i32>} : memref<128xi32, #tpu.memory_space<vmem>>, vector<16xi32>,
    tpu.vector_store_idx %arg14[%get3A_330], %broadcast_in_dim3A_5 {add = true} : memref<512xf32, #tpu.memory_space<vmem>>[vector<16xi32>], vector<16xf32>,
    %dma_wait3A_331 = arith.constant 0 : i32
    %dma_wait3A_332 = arith.constant 0 : i32
    %dma_wait3A_333 = tpu.memref_slice %arg8[%dma_wait3A_331, %dma_wait3A_332] : memref<256x128xf32, #tpu.memory_space<vmem>> -> memref<128x128xf32, #tpu.memory_space<vmem>>
    %dma_wait3A_334 = arith.constant 0 : i32
    %dma_wait3A_335 = arith.constant 0 : i32
    %dma_wait3A_336 = tpu.memref_slice %arg15[%dma_wait3A_334, %dma_wait3A_335] : memref<512x128xf32, #tpu.memory_space<vmem_shared>> -> memref<512x128xf32, #tpu.memory_space<vmem_shared>>
    tpu.wait_indirect_dma semaphore(%arg18 : memref<!tpu.dma_semaphore, #tpu.memory_space<semaphore_mem>>) src(%dma_wait3A_333 : memref<128x128xf32, #tpu.memory_space<vmem>>) dst(%dma_wait3A_336 : memref<512x128xf32, #tpu.memory_space<vmem_shared>>)
    %dma_wait3A_337 = arith.constant 128 : i32
    %dma_wait3A_338 = arith.constant 0 : i32
    %dma_wait3A_339 = tpu.memref_slice %arg8[%dma_wait3A_337, %dma_wait3A_338] : memref<256x128xf32, #tpu.memory_space<vmem>> -> memref<128x128xf32, #tpu.memory_space<vmem>>
    %dma_wait3A_340 = arith.constant 0 : i32
    %dma_wait3A_341 = arith.constant 0 : i32
    %dma_wait3A_342 = tpu.memref_slice %arg15[%dma_wait3A_340, %dma_wait3A_341] : memref<512x128xf32, #tpu.memory_space<vmem_shared>> -> memref<512x128xf32, #tpu.memory_space<vmem_shared>>
    tpu.wait_indirect_dma semaphore(%arg18 : memref<!tpu.dma_semaphore, #tpu.memory_space<semaphore_mem>>) src(%dma_wait3A_339 : memref<128x128xf32, #tpu.memory_space<vmem>>) dst(%dma_wait3A_342 : memref<512x128xf32, #tpu.memory_space<vmem_shared>>)
    %mul3A_343 = arith.constant 7 : i32
    %mul3A_344 = arith.muli %add3A, %mul3A_343 : i32
    %add3A_345 = arith.constant 4 : i32
    %add3A_346 = arith.addi %mul3A_344, %add3A_345 : i32
    %mul3A_347 = arith.constant 256 : i32
    %mul3A_348 = arith.muli %add3A_346, %mul3A_347 : i32
    %dma_start3A_349 = arith.constant 0 : i32
    %dma_start3A_350 = tpu.memref_slice %arg2[%mul3A_348, %dma_start3A_349] : memref<100000x128xf32, #tpu.memory_space<hbm>> -> memref<256x128xf32, #tpu.memory_space<hbm>>
    %dma_start3A_351 = arith.constant 0 : i32
    %dma_start3A_352 = tpu.memref_slice %arg2[%mul3A_348, %dma_start3A_351] : memref<100000x128xf32, #tpu.memory_space<hbm>> -> memref<256x128xf32, #tpu.memory_space<hbm>>
    tpu.enqueue_dma source(%dma_start3A_352 : memref<256x128xf32, #tpu.memory_space<hbm>>) target(%arg8 : memref<256x128xf32, #tpu.memory_space<vmem>>) target_semaphore(%arg16 : memref<!tpu.dma_semaphore, #tpu.memory_space<semaphore_mem>>)
    %dma_start3A_353 = tpu.memref_slice %arg3[%mul3A_348] : memref<100000xi32, #tpu.memory_space<hbm>> -> memref<128xi32, #tpu.memory_space<hbm>>
    %dma_start3A_354 = tpu.memref_slice %arg3[%mul3A_348] : memref<100000xi32, #tpu.memory_space<hbm>> -> memref<128xi32, #tpu.memory_space<hbm>>
    tpu.enqueue_dma source(%dma_start3A_354 : memref<128xi32, #tpu.memory_space<hbm>>) target(%arg10 : memref<128xi32, #tpu.memory_space<vmem>>) target_semaphore(%arg16 : memref<!tpu.dma_semaphore, #tpu.memory_space<semaphore_mem>>)
    %add3A_355 = arith.constant 128 : i32
    %add3A_356 = arith.addi %mul3A_348, %add3A_355 : i32
    %dma_start3A_357 = tpu.memref_slice %arg3[%add3A_356] : memref<100000xi32, #tpu.memory_space<hbm>> -> memref<128xi32, #tpu.memory_space<hbm>>
    %dma_start3A_358 = tpu.memref_slice %arg3[%add3A_356] : memref<100000xi32, #tpu.memory_space<hbm>> -> memref<128xi32, #tpu.memory_space<hbm>>
    tpu.enqueue_dma source(%dma_start3A_358 : memref<128xi32, #tpu.memory_space<hbm>>) target(%arg12 : memref<128xi32, #tpu.memory_space<vmem>>) target_semaphore(%arg16 : memref<!tpu.dma_semaphore, #tpu.memory_space<semaphore_mem>>)
    %mul3A_359 = arith.constant 7 : i32
    %mul3A_360 = arith.muli %add3A, %mul3A_359 : i32
    %add3A_361 = arith.constant 4 : i32
    %add3A_362 = arith.addi %mul3A_360, %add3A_361 : i32
    %mul3A_363 = arith.constant 256 : i32
    %mul3A_364 = arith.muli %add3A_362, %mul3A_363 : i32
    %dma_wait3A_365 = arith.constant 0 : i32
    %dma_wait3A_366 = tpu.memref_slice %arg2[%mul3A_364, %dma_wait3A_365] : memref<100000x128xf32, #tpu.memory_space<hbm>> -> memref<256x128xf32, #tpu.memory_space<hbm>>
    %dma_wait3A_367 = arith.constant 0 : i32
    %dma_wait3A_368 = tpu.memref_slice %arg2[%mul3A_364, %dma_wait3A_367] : memref<100000x128xf32, #tpu.memory_space<hbm>> -> memref<256x128xf32, #tpu.memory_space<hbm>>
    tpu.wait_dma2 semaphore(%arg16 : memref<!tpu.dma_semaphore, #tpu.memory_space<semaphore_mem>>) src(%dma_wait3A_368 : memref<256x128xf32, #tpu.memory_space<hbm>>) dst(%arg8 : memref<256x128xf32, #tpu.memory_space<vmem>>)
    %dma_wait3A_369 = tpu.memref_slice %arg3[%mul3A_364] : memref<100000xi32, #tpu.memory_space<hbm>> -> memref<128xi32, #tpu.memory_space<hbm>>
    %dma_wait3A_370 = tpu.memref_slice %arg3[%mul3A_364] : memref<100000xi32, #tpu.memory_space<hbm>> -> memref<128xi32, #tpu.memory_space<hbm>>
    tpu.wait_dma2 semaphore(%arg16 : memref<!tpu.dma_semaphore, #tpu.memory_space<semaphore_mem>>) src(%dma_wait3A_370 : memref<128xi32, #tpu.memory_space<hbm>>) dst(%arg10 : memref<128xi32, #tpu.memory_space<vmem>>)
    %add3A_371 = arith.constant 128 : i32
    %add3A_372 = arith.addi %mul3A_364, %add3A_371 : i32
    %dma_wait3A_373 = tpu.memref_slice %arg3[%add3A_372] : memref<100000xi32, #tpu.memory_space<hbm>> -> memref<128xi32, #tpu.memory_space<hbm>>
    %dma_wait3A_374 = tpu.memref_slice %arg3[%add3A_372] : memref<100000xi32, #tpu.memory_space<hbm>> -> memref<128xi32, #tpu.memory_space<hbm>>
    tpu.wait_dma2 semaphore(%arg16 : memref<!tpu.dma_semaphore, #tpu.memory_space<semaphore_mem>>) src(%dma_wait3A_374 : memref<128xi32, #tpu.memory_space<hbm>>) dst(%arg12 : memref<128xi32, #tpu.memory_space<vmem>>)
    %dma_start3A_375 = arith.constant 0 : i32
    %dma_start3A_376 = arith.constant 0 : i32
    %dma_start3A_377 = tpu.memref_slice %arg8[%dma_start3A_375, %dma_start3A_376] : memref<256x128xf32, #tpu.memory_space<vmem>> -> memref<128x128xf32, #tpu.memory_space<vmem>>
    %dma_start3A_378 = arith.constant 0 : i32
    %dma_start3A_379 = arith.constant 0 : i32
    %dma_start3A_380 = tpu.memref_slice %arg15[%dma_start3A_378, %dma_start3A_379] : memref<512x128xf32, #tpu.memory_space<vmem_shared>> -> memref<512x128xf32, #tpu.memory_space<vmem_shared>>
    tpu.enqueue_indirect_dma source(%dma_start3A_377 : memref<128x128xf32, #tpu.memory_space<vmem>>) target(%dma_start3A_380 : memref<512x128xf32, #tpu.memory_space<vmem_shared>>) offsets(%arg10 : memref<128xi32, #tpu.memory_space<vmem>>) semaphore(%arg18 : memref<!tpu.dma_semaphore, #tpu.memory_space<semaphore_mem>>) {add = true}
    %dma_start3A_381 = arith.constant 128 : i32
    %dma_start3A_382 = arith.constant 0 : i32
    %dma_start3A_383 = tpu.memref_slice %arg8[%dma_start3A_381, %dma_start3A_382] : memref<256x128xf32, #tpu.memory_space<vmem>> -> memref<128x128xf32, #tpu.memory_space<vmem>>
    %dma_start3A_384 = arith.constant 0 : i32
    %dma_start3A_385 = arith.constant 0 : i32
    %dma_start3A_386 = tpu.memref_slice %arg15[%dma_start3A_384, %dma_start3A_385] : memref<512x128xf32, #tpu.memory_space<vmem_shared>> -> memref<512x128xf32, #tpu.memory_space<vmem_shared>>
    tpu.enqueue_indirect_dma source(%dma_start3A_383 : memref<128x128xf32, #tpu.memory_space<vmem>>) target(%dma_start3A_386 : memref<512x128xf32, #tpu.memory_space<vmem_shared>>) offsets(%arg12 : memref<128xi32, #tpu.memory_space<vmem>>) semaphore(%arg18 : memref<!tpu.dma_semaphore, #tpu.memory_space<semaphore_mem>>) {add = true}
    %get3A_387 = arith.constant 0 : index
    %get3A_388 = tpu.vector_load %arg10[%get3A_387] {strides = array<i32>} : memref<128xi32, #tpu.memory_space<vmem>>, vector<16xi32>,
    tpu.vector_store_idx %arg14[%get3A_388], %broadcast_in_dim3A_5 {add = true} : memref<512xf32, #tpu.memory_space<vmem>>[vector<16xi32>], vector<16xf32>,
    %get3A_389 = arith.constant 16 : index
    %get3A_390 = tpu.vector_load %arg10[%get3A_389] {strides = array<i32>} : memref<128xi32, #tpu.memory_space<vmem>>, vector<16xi32>,
    tpu.vector_store_idx %arg14[%get3A_390], %broadcast_in_dim3A_5 {add = true} : memref<512xf32, #tpu.memory_space<vmem>>[vector<16xi32>], vector<16xf32>,
    %get3A_391 = arith.constant 32 : index
    %get3A_392 = tpu.vector_load %arg10[%get3A_391] {strides = array<i32>} : memref<128xi32, #tpu.memory_space<vmem>>, vector<16xi32>,
    tpu.vector_store_idx %arg14[%get3A_392], %broadcast_in_dim3A_5 {add = true} : memref<512xf32, #tpu.memory_space<vmem>>[vector<16xi32>], vector<16xf32>,
    %get3A_393 = arith.constant 48 : index
    %get3A_394 = tpu.vector_load %arg10[%get3A_393] {strides = array<i32>} : memref<128xi32, #tpu.memory_space<vmem>>, vector<16xi32>,
    tpu.vector_store_idx %arg14[%get3A_394], %broadcast_in_dim3A_5 {add = true} : memref<512xf32, #tpu.memory_space<vmem>>[vector<16xi32>], vector<16xf32>,
    %get3A_395 = arith.constant 64 : index
    %get3A_396 = tpu.vector_load %arg10[%get3A_395] {strides = array<i32>} : memref<128xi32, #tpu.memory_space<vmem>>, vector<16xi32>,
    tpu.vector_store_idx %arg14[%get3A_396], %broadcast_in_dim3A_5 {add = true} : memref<512xf32, #tpu.memory_space<vmem>>[vector<16xi32>], vector<16xf32>,
    %get3A_397 = arith.constant 80 : index
    %get3A_398 = tpu.vector_load %arg10[%get3A_397] {strides = array<i32>} : memref<128xi32, #tpu.memory_space<vmem>>, vector<16xi32>,
    tpu.vector_store_idx %arg14[%get3A_398], %broadcast_in_dim3A_5 {add = true} : memref<512xf32, #tpu.memory_space<vmem>>[vector<16xi32>], vector<16xf32>,
    %get3A_399 = arith.constant 96 : index
    %get3A_400 = tpu.vector_load %arg10[%get3A_399] {strides = array<i32>} : memref<128xi32, #tpu.memory_space<vmem>>, vector<16xi32>,
    tpu.vector_store_idx %arg14[%get3A_400], %broadcast_in_dim3A_5 {add = true} : memref<512xf32, #tpu.memory_space<vmem>>[vector<16xi32>], vector<16xf32>,
    %get3A_401 = arith.constant 112 : index
    %get3A_402 = tpu.vector_load %arg10[%get3A_401] {strides = array<i32>} : memref<128xi32, #tpu.memory_space<vmem>>, vector<16xi32>,
    tpu.vector_store_idx %arg14[%get3A_402], %broadcast_in_dim3A_5 {add = true} : memref<512xf32, #tpu.memory_space<vmem>>[vector<16xi32>], vector<16xf32>,
    %get3A_403 = arith.constant 0 : index
    %get3A_404 = tpu.vector_load %arg12[%get3A_403] {strides = array<i32>} : memref<128xi32, #tpu.memory_space<vmem>>, vector<16xi32>,
    tpu.vector_store_idx %arg14[%get3A_404], %broadcast_in_dim3A_5 {add = true} : memref<512xf32, #tpu.memory_space<vmem>>[vector<16xi32>], vector<16xf32>,
    %get3A_405 = arith.constant 16 : index
    %get3A_406 = tpu.vector_load %arg12[%get3A_405] {strides = array<i32>} : memref<128xi32, #tpu.memory_space<vmem>>, vector<16xi32>,
    tpu.vector_store_idx %arg14[%get3A_406], %broadcast_in_dim3A_5 {add = true} : memref<512xf32, #tpu.memory_space<vmem>>[vector<16xi32>], vector<16xf32>,
    %get3A_407 = arith.constant 32 : index
    %get3A_408 = tpu.vector_load %arg12[%get3A_407] {strides = array<i32>} : memref<128xi32, #tpu.memory_space<vmem>>, vector<16xi32>,
    tpu.vector_store_idx %arg14[%get3A_408], %broadcast_in_dim3A_5 {add = true} : memref<512xf32, #tpu.memory_space<vmem>>[vector<16xi32>], vector<16xf32>,
    %get3A_409 = arith.constant 48 : index
    %get3A_410 = tpu.vector_load %arg12[%get3A_409] {strides = array<i32>} : memref<128xi32, #tpu.memory_space<vmem>>, vector<16xi32>,
    tpu.vector_store_idx %arg14[%get3A_410], %broadcast_in_dim3A_5 {add = true} : memref<512xf32, #tpu.memory_space<vmem>>[vector<16xi32>], vector<16xf32>,
    %get3A_411 = arith.constant 64 : index
    %get3A_412 = tpu.vector_load %arg12[%get3A_411] {strides = array<i32>} : memref<128xi32, #tpu.memory_space<vmem>>, vector<16xi32>,
    tpu.vector_store_idx %arg14[%get3A_412], %broadcast_in_dim3A_5 {add = true} : memref<512xf32, #tpu.memory_space<vmem>>[vector<16xi32>], vector<16xf32>,
    %get3A_413 = arith.constant 80 : index
    %get3A_414 = tpu.vector_load %arg12[%get3A_413] {strides = array<i32>} : memref<128xi32, #tpu.memory_space<vmem>>, vector<16xi32>,
    tpu.vector_store_idx %arg14[%get3A_414], %broadcast_in_dim3A_5 {add = true} : memref<512xf32, #tpu.memory_space<vmem>>[vector<16xi32>], vector<16xf32>,
    %get3A_415 = arith.constant 96 : index
    %get3A_416 = tpu.vector_load %arg12[%get3A_415] {strides = array<i32>} : memref<128xi32, #tpu.memory_space<vmem>>, vector<16xi32>,
    tpu.vector_store_idx %arg14[%get3A_416], %broadcast_in_dim3A_5 {add = true} : memref<512xf32, #tpu.memory_space<vmem>>[vector<16xi32>], vector<16xf32>,
    %get3A_417 = arith.constant 112 : index
    %get3A_418 = tpu.vector_load %arg12[%get3A_417] {strides = array<i32>} : memref<128xi32, #tpu.memory_space<vmem>>, vector<16xi32>,
    tpu.vector_store_idx %arg14[%get3A_418], %broadcast_in_dim3A_5 {add = true} : memref<512xf32, #tpu.memory_space<vmem>>[vector<16xi32>], vector<16xf32>,
    %dma_wait3A_419 = arith.constant 0 : i32
    %dma_wait3A_420 = arith.constant 0 : i32
    %dma_wait3A_421 = tpu.memref_slice %arg9[%dma_wait3A_419, %dma_wait3A_420] : memref<256x128xf32, #tpu.memory_space<vmem>> -> memref<128x128xf32, #tpu.memory_space<vmem>>
    %dma_wait3A_422 = arith.constant 0 : i32
    %dma_wait3A_423 = arith.constant 0 : i32
    %dma_wait3A_424 = tpu.memref_slice %arg15[%dma_wait3A_422, %dma_wait3A_423] : memref<512x128xf32, #tpu.memory_space<vmem_shared>> -> memref<512x128xf32, #tpu.memory_space<vmem_shared>>
    tpu.wait_indirect_dma semaphore(%arg19 : memref<!tpu.dma_semaphore, #tpu.memory_space<semaphore_mem>>) src(%dma_wait3A_421 : memref<128x128xf32, #tpu.memory_space<vmem>>) dst(%dma_wait3A_424 : memref<512x128xf32, #tpu.memory_space<vmem_shared>>)
    %dma_wait3A_425 = arith.constant 128 : i32
    %dma_wait3A_426 = arith.constant 0 : i32
    %dma_wait3A_427 = tpu.memref_slice %arg9[%dma_wait3A_425, %dma_wait3A_426] : memref<256x128xf32, #tpu.memory_space<vmem>> -> memref<128x128xf32, #tpu.memory_space<vmem>>
    %dma_wait3A_428 = arith.constant 0 : i32
    %dma_wait3A_429 = arith.constant 0 : i32
    %dma_wait3A_430 = tpu.memref_slice %arg15[%dma_wait3A_428, %dma_wait3A_429] : memref<512x128xf32, #tpu.memory_space<vmem_shared>> -> memref<512x128xf32, #tpu.memory_space<vmem_shared>>
    tpu.wait_indirect_dma semaphore(%arg19 : memref<!tpu.dma_semaphore, #tpu.memory_space<semaphore_mem>>) src(%dma_wait3A_427 : memref<128x128xf32, #tpu.memory_space<vmem>>) dst(%dma_wait3A_430 : memref<512x128xf32, #tpu.memory_space<vmem_shared>>)
    %mul3A_431 = arith.constant 7 : i32
    %mul3A_432 = arith.muli %add3A, %mul3A_431 : i32
    %add3A_433 = arith.constant 5 : i32
    %add3A_434 = arith.addi %mul3A_432, %add3A_433 : i32
    %mul3A_435 = arith.constant 256 : i32
    %mul3A_436 = arith.muli %add3A_434, %mul3A_435 : i32
    %dma_start3A_437 = arith.constant 0 : i32
    %dma_start3A_438 = tpu.memref_slice %arg2[%mul3A_436, %dma_start3A_437] : memref<100000x128xf32, #tpu.memory_space<hbm>> -> memref<256x128xf32, #tpu.memory_space<hbm>>
    %dma_start3A_439 = arith.constant 0 : i32
    %dma_start3A_440 = tpu.memref_slice %arg2[%mul3A_436, %dma_start3A_439] : memref<100000x128xf32, #tpu.memory_space<hbm>> -> memref<256x128xf32, #tpu.memory_space<hbm>>
    tpu.enqueue_dma source(%dma_start3A_440 : memref<256x128xf32, #tpu.memory_space<hbm>>) target(%arg9 : memref<256x128xf32, #tpu.memory_space<vmem>>) target_semaphore(%arg17 : memref<!tpu.dma_semaphore, #tpu.memory_space<semaphore_mem>>)
    %dma_start3A_441 = tpu.memref_slice %arg3[%mul3A_436] : memref<100000xi32, #tpu.memory_space<hbm>> -> memref<128xi32, #tpu.memory_space<hbm>>
    %dma_start3A_442 = tpu.memref_slice %arg3[%mul3A_436] : memref<100000xi32, #tpu.memory_space<hbm>> -> memref<128xi32, #tpu.memory_space<hbm>>
    tpu.enqueue_dma source(%dma_start3A_442 : memref<128xi32, #tpu.memory_space<hbm>>) target(%arg11 : memref<128xi32, #tpu.memory_space<vmem>>) target_semaphore(%arg17 : memref<!tpu.dma_semaphore, #tpu.memory_space<semaphore_mem>>)
    %add3A_443 = arith.constant 128 : i32
    %add3A_444 = arith.addi %mul3A_436, %add3A_443 : i32
    %dma_start3A_445 = tpu.memref_slice %arg3[%add3A_444] : memref<100000xi32, #tpu.memory_space<hbm>> -> memref<128xi32, #tpu.memory_space<hbm>>
    %dma_start3A_446 = tpu.memref_slice %arg3[%add3A_444] : memref<100000xi32, #tpu.memory_space<hbm>> -> memref<128xi32, #tpu.memory_space<hbm>>
    tpu.enqueue_dma source(%dma_start3A_446 : memref<128xi32, #tpu.memory_space<hbm>>) target(%arg13 : memref<128xi32, #tpu.memory_space<vmem>>) target_semaphore(%arg17 : memref<!tpu.dma_semaphore, #tpu.memory_space<semaphore_mem>>)
    %mul3A_447 = arith.constant 7 : i32
    %mul3A_448 = arith.muli %add3A, %mul3A_447 : i32
    %add3A_449 = arith.constant 5 : i32
    %add3A_450 = arith.addi %mul3A_448, %add3A_449 : i32
    %mul3A_451 = arith.constant 256 : i32
    %mul3A_452 = arith.muli %add3A_450, %mul3A_451 : i32
    %dma_wait3A_453 = arith.constant 0 : i32
    %dma_wait3A_454 = tpu.memref_slice %arg2[%mul3A_452, %dma_wait3A_453] : memref<100000x128xf32, #tpu.memory_space<hbm>> -> memref<256x128xf32, #tpu.memory_space<hbm>>
    %dma_wait3A_455 = arith.constant 0 : i32
    %dma_wait3A_456 = tpu.memref_slice %arg2[%mul3A_452, %dma_wait3A_455] : memref<100000x128xf32, #tpu.memory_space<hbm>> -> memref<256x128xf32, #tpu.memory_space<hbm>>
    tpu.wait_dma2 semaphore(%arg17 : memref<!tpu.dma_semaphore, #tpu.memory_space<semaphore_mem>>) src(%dma_wait3A_456 : memref<256x128xf32, #tpu.memory_space<hbm>>) dst(%arg9 : memref<256x128xf32, #tpu.memory_space<vmem>>)
    %dma_wait3A_457 = tpu.memref_slice %arg3[%mul3A_452] : memref<100000xi32, #tpu.memory_space<hbm>> -> memref<128xi32, #tpu.memory_space<hbm>>
    %dma_wait3A_458 = tpu.memref_slice %arg3[%mul3A_452] : memref<100000xi32, #tpu.memory_space<hbm>> -> memref<128xi32, #tpu.memory_space<hbm>>
    tpu.wait_dma2 semaphore(%arg17 : memref<!tpu.dma_semaphore, #tpu.memory_space<semaphore_mem>>) src(%dma_wait3A_458 : memref<128xi32, #tpu.memory_space<hbm>>) dst(%arg11 : memref<128xi32, #tpu.memory_space<vmem>>)
    %add3A_459 = arith.constant 128 : i32
    %add3A_460 = arith.addi %mul3A_452, %add3A_459 : i32
    %dma_wait3A_461 = tpu.memref_slice %arg3[%add3A_460] : memref<100000xi32, #tpu.memory_space<hbm>> -> memref<128xi32, #tpu.memory_space<hbm>>
    %dma_wait3A_462 = tpu.memref_slice %arg3[%add3A_460] : memref<100000xi32, #tpu.memory_space<hbm>> -> memref<128xi32, #tpu.memory_space<hbm>>
    tpu.wait_dma2 semaphore(%arg17 : memref<!tpu.dma_semaphore, #tpu.memory_space<semaphore_mem>>) src(%dma_wait3A_462 : memref<128xi32, #tpu.memory_space<hbm>>) dst(%arg13 : memref<128xi32, #tpu.memory_space<vmem>>)
    %dma_start3A_463 = arith.constant 0 : i32
    %dma_start3A_464 = arith.constant 0 : i32
    %dma_start3A_465 = tpu.memref_slice %arg9[%dma_start3A_463, %dma_start3A_464] : memref<256x128xf32, #tpu.memory_space<vmem>> -> memref<128x128xf32, #tpu.memory_space<vmem>>
    %dma_start3A_466 = arith.constant 0 : i32
    %dma_start3A_467 = arith.constant 0 : i32
    %dma_start3A_468 = tpu.memref_slice %arg15[%dma_start3A_466, %dma_start3A_467] : memref<512x128xf32, #tpu.memory_space<vmem_shared>> -> memref<512x128xf32, #tpu.memory_space<vmem_shared>>
    tpu.enqueue_indirect_dma source(%dma_start3A_465 : memref<128x128xf32, #tpu.memory_space<vmem>>) target(%dma_start3A_468 : memref<512x128xf32, #tpu.memory_space<vmem_shared>>) offsets(%arg11 : memref<128xi32, #tpu.memory_space<vmem>>) semaphore(%arg19 : memref<!tpu.dma_semaphore, #tpu.memory_space<semaphore_mem>>) {add = true}
    %dma_start3A_469 = arith.constant 128 : i32
    %dma_start3A_470 = arith.constant 0 : i32
    %dma_start3A_471 = tpu.memref_slice %arg9[%dma_start3A_469, %dma_start3A_470] : memref<256x128xf32, #tpu.memory_space<vmem>> -> memref<128x128xf32, #tpu.memory_space<vmem>>
    %dma_start3A_472 = arith.constant 0 : i32
    %dma_start3A_473 = arith.constant 0 : i32
    %dma_start3A_474 = tpu.memref_slice %arg15[%dma_start3A_472, %dma_start3A_473] : memref<512x128xf32, #tpu.memory_space<vmem_shared>> -> memref<512x128xf32, #tpu.memory_space<vmem_shared>>
    tpu.enqueue_indirect_dma source(%dma_start3A_471 : memref<128x128xf32, #tpu.memory_space<vmem>>) target(%dma_start3A_474 : memref<512x128xf32, #tpu.memory_space<vmem_shared>>) offsets(%arg13 : memref<128xi32, #tpu.memory_space<vmem>>) semaphore(%arg19 : memref<!tpu.dma_semaphore, #tpu.memory_space<semaphore_mem>>) {add = true}
    %get3A_475 = arith.constant 0 : index
    %get3A_476 = tpu.vector_load %arg11[%get3A_475] {strides = array<i32>} : memref<128xi32, #tpu.memory_space<vmem>>, vector<16xi32>,
    tpu.vector_store_idx %arg14[%get3A_476], %broadcast_in_dim3A_5 {add = true} : memref<512xf32, #tpu.memory_space<vmem>>[vector<16xi32>], vector<16xf32>,
    %get3A_477 = arith.constant 16 : index
    %get3A_478 = tpu.vector_load %arg11[%get3A_477] {strides = array<i32>} : memref<128xi32, #tpu.memory_space<vmem>>, vector<16xi32>,
    tpu.vector_store_idx %arg14[%get3A_478], %broadcast_in_dim3A_5 {add = true} : memref<512xf32, #tpu.memory_space<vmem>>[vector<16xi32>], vector<16xf32>,
    %get3A_479 = arith.constant 32 : index
    %get3A_480 = tpu.vector_load %arg11[%get3A_479] {strides = array<i32>} : memref<128xi32, #tpu.memory_space<vmem>>, vector<16xi32>,
    tpu.vector_store_idx %arg14[%get3A_480], %broadcast_in_dim3A_5 {add = true} : memref<512xf32, #tpu.memory_space<vmem>>[vector<16xi32>], vector<16xf32>,
    %get3A_481 = arith.constant 48 : index
    %get3A_482 = tpu.vector_load %arg11[%get3A_481] {strides = array<i32>} : memref<128xi32, #tpu.memory_space<vmem>>, vector<16xi32>,
    tpu.vector_store_idx %arg14[%get3A_482], %broadcast_in_dim3A_5 {add = true} : memref<512xf32, #tpu.memory_space<vmem>>[vector<16xi32>], vector<16xf32>,
    %get3A_483 = arith.constant 64 : index
    %get3A_484 = tpu.vector_load %arg11[%get3A_483] {strides = array<i32>} : memref<128xi32, #tpu.memory_space<vmem>>, vector<16xi32>,
    tpu.vector_store_idx %arg14[%get3A_484], %broadcast_in_dim3A_5 {add = true} : memref<512xf32, #tpu.memory_space<vmem>>[vector<16xi32>], vector<16xf32>,
    %get3A_485 = arith.constant 80 : index
    %get3A_486 = tpu.vector_load %arg11[%get3A_485] {strides = array<i32>} : memref<128xi32, #tpu.memory_space<vmem>>, vector<16xi32>,
    tpu.vector_store_idx %arg14[%get3A_486], %broadcast_in_dim3A_5 {add = true} : memref<512xf32, #tpu.memory_space<vmem>>[vector<16xi32>], vector<16xf32>,
    %get3A_487 = arith.constant 96 : index
    %get3A_488 = tpu.vector_load %arg11[%get3A_487] {strides = array<i32>} : memref<128xi32, #tpu.memory_space<vmem>>, vector<16xi32>,
    tpu.vector_store_idx %arg14[%get3A_488], %broadcast_in_dim3A_5 {add = true} : memref<512xf32, #tpu.memory_space<vmem>>[vector<16xi32>], vector<16xf32>,
    %get3A_489 = arith.constant 112 : index
    %get3A_490 = tpu.vector_load %arg11[%get3A_489] {strides = array<i32>} : memref<128xi32, #tpu.memory_space<vmem>>, vector<16xi32>,
    tpu.vector_store_idx %arg14[%get3A_490], %broadcast_in_dim3A_5 {add = true} : memref<512xf32, #tpu.memory_space<vmem>>[vector<16xi32>], vector<16xf32>,
    %get3A_491 = arith.constant 0 : index
    %get3A_492 = tpu.vector_load %arg13[%get3A_491] {strides = array<i32>} : memref<128xi32, #tpu.memory_space<vmem>>, vector<16xi32>,
    tpu.vector_store_idx %arg14[%get3A_492], %broadcast_in_dim3A_5 {add = true} : memref<512xf32, #tpu.memory_space<vmem>>[vector<16xi32>], vector<16xf32>,
    %get3A_493 = arith.constant 16 : index
    %get3A_494 = tpu.vector_load %arg13[%get3A_493] {strides = array<i32>} : memref<128xi32, #tpu.memory_space<vmem>>, vector<16xi32>,
    tpu.vector_store_idx %arg14[%get3A_494], %broadcast_in_dim3A_5 {add = true} : memref<512xf32, #tpu.memory_space<vmem>>[vector<16xi32>], vector<16xf32>,
    %get3A_495 = arith.constant 32 : index
    %get3A_496 = tpu.vector_load %arg13[%get3A_495] {strides = array<i32>} : memref<128xi32, #tpu.memory_space<vmem>>, vector<16xi32>,
    tpu.vector_store_idx %arg14[%get3A_496], %broadcast_in_dim3A_5 {add = true} : memref<512xf32, #tpu.memory_space<vmem>>[vector<16xi32>], vector<16xf32>,
    %get3A_497 = arith.constant 48 : index
    %get3A_498 = tpu.vector_load %arg13[%get3A_497] {strides = array<i32>} : memref<128xi32, #tpu.memory_space<vmem>>, vector<16xi32>,
    tpu.vector_store_idx %arg14[%get3A_498], %broadcast_in_dim3A_5 {add = true} : memref<512xf32, #tpu.memory_space<vmem>>[vector<16xi32>], vector<16xf32>,
    %get3A_499 = arith.constant 64 : index
    %get3A_500 = tpu.vector_load %arg13[%get3A_499] {strides = array<i32>} : memref<128xi32, #tpu.memory_space<vmem>>, vector<16xi32>,
    tpu.vector_store_idx %arg14[%get3A_500], %broadcast_in_dim3A_5 {add = true} : memref<512xf32, #tpu.memory_space<vmem>>[vector<16xi32>], vector<16xf32>,
    %get3A_501 = arith.constant 80 : index
    %get3A_502 = tpu.vector_load %arg13[%get3A_501] {strides = array<i32>} : memref<128xi32, #tpu.memory_space<vmem>>, vector<16xi32>,
    tpu.vector_store_idx %arg14[%get3A_502], %broadcast_in_dim3A_5 {add = true} : memref<512xf32, #tpu.memory_space<vmem>>[vector<16xi32>], vector<16xf32>,
    %get3A_503 = arith.constant 96 : index
    %get3A_504 = tpu.vector_load %arg13[%get3A_503] {strides = array<i32>} : memref<128xi32, #tpu.memory_space<vmem>>, vector<16xi32>,
    tpu.vector_store_idx %arg14[%get3A_504], %broadcast_in_dim3A_5 {add = true} : memref<512xf32, #tpu.memory_space<vmem>>[vector<16xi32>], vector<16xf32>,
    %get3A_505 = arith.constant 112 : index
    %get3A_506 = tpu.vector_load %arg13[%get3A_505] {strides = array<i32>} : memref<128xi32, #tpu.memory_space<vmem>>, vector<16xi32>,
    tpu.vector_store_idx %arg14[%get3A_506], %broadcast_in_dim3A_5 {add = true} : memref<512xf32, #tpu.memory_space<vmem>>[vector<16xi32>], vector<16xf32>,
    %dma_wait3A_507 = arith.constant 0 : i32
    %dma_wait3A_508 = arith.constant 0 : i32
    %dma_wait3A_509 = tpu.memref_slice %arg8[%dma_wait3A_507, %dma_wait3A_508] : memref<256x128xf32, #tpu.memory_space<vmem>> -> memref<128x128xf32, #tpu.memory_space<vmem>>
    %dma_wait3A_510 = arith.constant 0 : i32
    %dma_wait3A_511 = arith.constant 0 : i32
    %dma_wait3A_512 = tpu.memref_slice %arg15[%dma_wait3A_510, %dma_wait3A_511] : memref<512x128xf32, #tpu.memory_space<vmem_shared>> -> memref<512x128xf32, #tpu.memory_space<vmem_shared>>
    tpu.wait_indirect_dma semaphore(%arg18 : memref<!tpu.dma_semaphore, #tpu.memory_space<semaphore_mem>>) src(%dma_wait3A_509 : memref<128x128xf32, #tpu.memory_space<vmem>>) dst(%dma_wait3A_512 : memref<512x128xf32, #tpu.memory_space<vmem_shared>>)
    %dma_wait3A_513 = arith.constant 128 : i32
    %dma_wait3A_514 = arith.constant 0 : i32
    %dma_wait3A_515 = tpu.memref_slice %arg8[%dma_wait3A_513, %dma_wait3A_514] : memref<256x128xf32, #tpu.memory_space<vmem>> -> memref<128x128xf32, #tpu.memory_space<vmem>>
    %dma_wait3A_516 = arith.constant 0 : i32
    %dma_wait3A_517 = arith.constant 0 : i32
    %dma_wait3A_518 = tpu.memref_slice %arg15[%dma_wait3A_516, %dma_wait3A_517] : memref<512x128xf32, #tpu.memory_space<vmem_shared>> -> memref<512x128xf32, #tpu.memory_space<vmem_shared>>
    tpu.wait_indirect_dma semaphore(%arg18 : memref<!tpu.dma_semaphore, #tpu.memory_space<semaphore_mem>>) src(%dma_wait3A_515 : memref<128x128xf32, #tpu.memory_space<vmem>>) dst(%dma_wait3A_518 : memref<512x128xf32, #tpu.memory_space<vmem_shared>>)
    %mul3A_519 = arith.constant 7 : i32
    %mul3A_520 = arith.muli %add3A, %mul3A_519 : i32
    %add3A_521 = arith.constant 6 : i32
    %add3A_522 = arith.addi %mul3A_520, %add3A_521 : i32
    %mul3A_523 = arith.constant 256 : i32
    %mul3A_524 = arith.muli %add3A_522, %mul3A_523 : i32
    %dma_start3A_525 = arith.constant 0 : i32
    %dma_start3A_526 = tpu.memref_slice %arg2[%mul3A_524, %dma_start3A_525] : memref<100000x128xf32, #tpu.memory_space<hbm>> -> memref<256x128xf32, #tpu.memory_space<hbm>>
    %dma_start3A_527 = arith.constant 0 : i32
    %dma_start3A_528 = tpu.memref_slice %arg2[%mul3A_524, %dma_start3A_527] : memref<100000x128xf32, #tpu.memory_space<hbm>> -> memref<256x128xf32, #tpu.memory_space<hbm>>
    tpu.enqueue_dma source(%dma_start3A_528 : memref<256x128xf32, #tpu.memory_space<hbm>>) target(%arg8 : memref<256x128xf32, #tpu.memory_space<vmem>>) target_semaphore(%arg16 : memref<!tpu.dma_semaphore, #tpu.memory_space<semaphore_mem>>)
    %dma_start3A_529 = tpu.memref_slice %arg3[%mul3A_524] : memref<100000xi32, #tpu.memory_space<hbm>> -> memref<128xi32, #tpu.memory_space<hbm>>
    %dma_start3A_530 = tpu.memref_slice %arg3[%mul3A_524] : memref<100000xi32, #tpu.memory_space<hbm>> -> memref<128xi32, #tpu.memory_space<hbm>>
    tpu.enqueue_dma source(%dma_start3A_530 : memref<128xi32, #tpu.memory_space<hbm>>) target(%arg10 : memref<128xi32, #tpu.memory_space<vmem>>) target_semaphore(%arg16 : memref<!tpu.dma_semaphore, #tpu.memory_space<semaphore_mem>>)
    %add3A_531 = arith.constant 128 : i32
    %add3A_532 = arith.addi %mul3A_524, %add3A_531 : i32
    %dma_start3A_533 = tpu.memref_slice %arg3[%add3A_532] : memref<100000xi32, #tpu.memory_space<hbm>> -> memref<128xi32, #tpu.memory_space<hbm>>
    %dma_start3A_534 = tpu.memref_slice %arg3[%add3A_532] : memref<100000xi32, #tpu.memory_space<hbm>> -> memref<128xi32, #tpu.memory_space<hbm>>
    tpu.enqueue_dma source(%dma_start3A_534 : memref<128xi32, #tpu.memory_space<hbm>>) target(%arg12 : memref<128xi32, #tpu.memory_space<vmem>>) target_semaphore(%arg16 : memref<!tpu.dma_semaphore, #tpu.memory_space<semaphore_mem>>)
    %mul3A_535 = arith.constant 7 : i32
    %mul3A_536 = arith.muli %add3A, %mul3A_535 : i32
    %add3A_537 = arith.constant 6 : i32
    %add3A_538 = arith.addi %mul3A_536, %add3A_537 : i32
    %mul3A_539 = arith.constant 256 : i32
    %mul3A_540 = arith.muli %add3A_538, %mul3A_539 : i32
    %dma_wait3A_541 = arith.constant 0 : i32
    %dma_wait3A_542 = tpu.memref_slice %arg2[%mul3A_540, %dma_wait3A_541] : memref<100000x128xf32, #tpu.memory_space<hbm>> -> memref<256x128xf32, #tpu.memory_space<hbm>>
    %dma_wait3A_543 = arith.constant 0 : i32
    %dma_wait3A_544 = tpu.memref_slice %arg2[%mul3A_540, %dma_wait3A_543] : memref<100000x128xf32, #tpu.memory_space<hbm>> -> memref<256x128xf32, #tpu.memory_space<hbm>>
    tpu.wait_dma2 semaphore(%arg16 : memref<!tpu.dma_semaphore, #tpu.memory_space<semaphore_mem>>) src(%dma_wait3A_544 : memref<256x128xf32, #tpu.memory_space<hbm>>) dst(%arg8 : memref<256x128xf32, #tpu.memory_space<vmem>>)
    %dma_wait3A_545 = tpu.memref_slice %arg3[%mul3A_540] : memref<100000xi32, #tpu.memory_space<hbm>> -> memref<128xi32, #tpu.memory_space<hbm>>
    %dma_wait3A_546 = tpu.memref_slice %arg3[%mul3A_540] : memref<100000xi32, #tpu.memory_space<hbm>> -> memref<128xi32, #tpu.memory_space<hbm>>
    tpu.wait_dma2 semaphore(%arg16 : memref<!tpu.dma_semaphore, #tpu.memory_space<semaphore_mem>>) src(%dma_wait3A_546 : memref<128xi32, #tpu.memory_space<hbm>>) dst(%arg10 : memref<128xi32, #tpu.memory_space<vmem>>)
    %add3A_547 = arith.constant 128 : i32
    %add3A_548 = arith.addi %mul3A_540, %add3A_547 : i32
    %dma_wait3A_549 = tpu.memref_slice %arg3[%add3A_548] : memref<100000xi32, #tpu.memory_space<hbm>> -> memref<128xi32, #tpu.memory_space<hbm>>
    %dma_wait3A_550 = tpu.memref_slice %arg3[%add3A_548] : memref<100000xi32, #tpu.memory_space<hbm>> -> memref<128xi32, #tpu.memory_space<hbm>>
    tpu.wait_dma2 semaphore(%arg16 : memref<!tpu.dma_semaphore, #tpu.memory_space<semaphore_mem>>) src(%dma_wait3A_550 : memref<128xi32, #tpu.memory_space<hbm>>) dst(%arg12 : memref<128xi32, #tpu.memory_space<vmem>>)
    %dma_start3A_551 = arith.constant 0 : i32
    %dma_start3A_552 = arith.constant 0 : i32
    %dma_start3A_553 = tpu.memref_slice %arg8[%dma_start3A_551, %dma_start3A_552] : memref<256x128xf32, #tpu.memory_space<vmem>> -> memref<128x128xf32, #tpu.memory_space<vmem>>
    %dma_start3A_554 = arith.constant 0 : i32
    %dma_start3A_555 = arith.constant 0 : i32
    %dma_start3A_556 = tpu.memref_slice %arg15[%dma_start3A_554, %dma_start3A_555] : memref<512x128xf32, #tpu.memory_space<vmem_shared>> -> memref<512x128xf32, #tpu.memory_space<vmem_shared>>
    tpu.enqueue_indirect_dma source(%dma_start3A_553 : memref<128x128xf32, #tpu.memory_space<vmem>>) target(%dma_start3A_556 : memref<512x128xf32, #tpu.memory_space<vmem_shared>>) offsets(%arg10 : memref<128xi32, #tpu.memory_space<vmem>>) semaphore(%arg18 : memref<!tpu.dma_semaphore, #tpu.memory_space<semaphore_mem>>) {add = true}
    %dma_start3A_557 = arith.constant 128 : i32
    %dma_start3A_558 = arith.constant 0 : i32
    %dma_start3A_559 = tpu.memref_slice %arg8[%dma_start3A_557, %dma_start3A_558] : memref<256x128xf32, #tpu.memory_space<vmem>> -> memref<128x128xf32, #tpu.memory_space<vmem>>
    %dma_start3A_560 = arith.constant 0 : i32
    %dma_start3A_561 = arith.constant 0 : i32
    %dma_start3A_562 = tpu.memref_slice %arg15[%dma_start3A_560, %dma_start3A_561] : memref<512x128xf32, #tpu.memory_space<vmem_shared>> -> memref<512x128xf32, #tpu.memory_space<vmem_shared>>
    tpu.enqueue_indirect_dma source(%dma_start3A_559 : memref<128x128xf32, #tpu.memory_space<vmem>>) target(%dma_start3A_562 : memref<512x128xf32, #tpu.memory_space<vmem_shared>>) offsets(%arg12 : memref<128xi32, #tpu.memory_space<vmem>>) semaphore(%arg18 : memref<!tpu.dma_semaphore, #tpu.memory_space<semaphore_mem>>) {add = true}
    %get3A_563 = arith.constant 0 : index
    %get3A_564 = tpu.vector_load %arg10[%get3A_563] {strides = array<i32>} : memref<128xi32, #tpu.memory_space<vmem>>, vector<16xi32>,
    tpu.vector_store_idx %arg14[%get3A_564], %broadcast_in_dim3A_5 {add = true} : memref<512xf32, #tpu.memory_space<vmem>>[vector<16xi32>], vector<16xf32>,
    %get3A_565 = arith.constant 16 : index
    %get3A_566 = tpu.vector_load %arg10[%get3A_565] {strides = array<i32>} : memref<128xi32, #tpu.memory_space<vmem>>, vector<16xi32>,
    tpu.vector_store_idx %arg14[%get3A_566], %broadcast_in_dim3A_5 {add = true} : memref<512xf32, #tpu.memory_space<vmem>>[vector<16xi32>], vector<16xf32>,
    %get3A_567 = arith.constant 32 : index
    %get3A_568 = tpu.vector_load %arg10[%get3A_567] {strides = array<i32>} : memref<128xi32, #tpu.memory_space<vmem>>, vector<16xi32>,
    tpu.vector_store_idx %arg14[%get3A_568], %broadcast_in_dim3A_5 {add = true} : memref<512xf32, #tpu.memory_space<vmem>>[vector<16xi32>], vector<16xf32>,
    %get3A_569 = arith.constant 48 : index
    %get3A_570 = tpu.vector_load %arg10[%get3A_569] {strides = array<i32>} : memref<128xi32, #tpu.memory_space<vmem>>, vector<16xi32>,
    tpu.vector_store_idx %arg14[%get3A_570], %broadcast_in_dim3A_5 {add = true} : memref<512xf32, #tpu.memory_space<vmem>>[vector<16xi32>], vector<16xf32>,
    %get3A_571 = arith.constant 64 : index
    %get3A_572 = tpu.vector_load %arg10[%get3A_571] {strides = array<i32>} : memref<128xi32, #tpu.memory_space<vmem>>, vector<16xi32>,
    tpu.vector_store_idx %arg14[%get3A_572], %broadcast_in_dim3A_5 {add = true} : memref<512xf32, #tpu.memory_space<vmem>>[vector<16xi32>], vector<16xf32>,
    %get3A_573 = arith.constant 80 : index
    %get3A_574 = tpu.vector_load %arg10[%get3A_573] {strides = array<i32>} : memref<128xi32, #tpu.memory_space<vmem>>, vector<16xi32>,
    tpu.vector_store_idx %arg14[%get3A_574], %broadcast_in_dim3A_5 {add = true} : memref<512xf32, #tpu.memory_space<vmem>>[vector<16xi32>], vector<16xf32>,
    %get3A_575 = arith.constant 96 : index
    %get3A_576 = tpu.vector_load %arg10[%get3A_575] {strides = array<i32>} : memref<128xi32, #tpu.memory_space<vmem>>, vector<16xi32>,
    tpu.vector_store_idx %arg14[%get3A_576], %broadcast_in_dim3A_5 {add = true} : memref<512xf32, #tpu.memory_space<vmem>>[vector<16xi32>], vector<16xf32>,
    %get3A_577 = arith.constant 112 : index
    %get3A_578 = tpu.vector_load %arg10[%get3A_577] {strides = array<i32>} : memref<128xi32, #tpu.memory_space<vmem>>, vector<16xi32>,
    tpu.vector_store_idx %arg14[%get3A_578], %broadcast_in_dim3A_5 {add = true} : memref<512xf32, #tpu.memory_space<vmem>>[vector<16xi32>], vector<16xf32>,
    %get3A_579 = arith.constant 0 : index
    %get3A_580 = tpu.vector_load %arg12[%get3A_579] {strides = array<i32>} : memref<128xi32, #tpu.memory_space<vmem>>, vector<16xi32>,
    tpu.vector_store_idx %arg14[%get3A_580], %broadcast_in_dim3A_5 {add = true} : memref<512xf32, #tpu.memory_space<vmem>>[vector<16xi32>], vector<16xf32>,
    %get3A_581 = arith.constant 16 : index
    %get3A_582 = tpu.vector_load %arg12[%get3A_581] {strides = array<i32>} : memref<128xi32, #tpu.memory_space<vmem>>, vector<16xi32>,
    tpu.vector_store_idx %arg14[%get3A_582], %broadcast_in_dim3A_5 {add = true} : memref<512xf32, #tpu.memory_space<vmem>>[vector<16xi32>], vector<16xf32>,
    %get3A_583 = arith.constant 32 : index
    %get3A_584 = tpu.vector_load %arg12[%get3A_583] {strides = array<i32>} : memref<128xi32, #tpu.memory_space<vmem>>, vector<16xi32>,
    tpu.vector_store_idx %arg14[%get3A_584], %broadcast_in_dim3A_5 {add = true} : memref<512xf32, #tpu.memory_space<vmem>>[vector<16xi32>], vector<16xf32>,
    %get3A_585 = arith.constant 48 : index
    %get3A_586 = tpu.vector_load %arg12[%get3A_585] {strides = array<i32>} : memref<128xi32, #tpu.memory_space<vmem>>, vector<16xi32>,
    tpu.vector_store_idx %arg14[%get3A_586], %broadcast_in_dim3A_5 {add = true} : memref<512xf32, #tpu.memory_space<vmem>>[vector<16xi32>], vector<16xf32>,
    %get3A_587 = arith.constant 64 : index
    %get3A_588 = tpu.vector_load %arg12[%get3A_587] {strides = array<i32>} : memref<128xi32, #tpu.memory_space<vmem>>, vector<16xi32>,
    tpu.vector_store_idx %arg14[%get3A_588], %broadcast_in_dim3A_5 {add = true} : memref<512xf32, #tpu.memory_space<vmem>>[vector<16xi32>], vector<16xf32>,
    %get3A_589 = arith.constant 80 : index
    %get3A_590 = tpu.vector_load %arg12[%get3A_589] {strides = array<i32>} : memref<128xi32, #tpu.memory_space<vmem>>, vector<16xi32>,
    tpu.vector_store_idx %arg14[%get3A_590], %broadcast_in_dim3A_5 {add = true} : memref<512xf32, #tpu.memory_space<vmem>>[vector<16xi32>], vector<16xf32>,
    %get3A_591 = arith.constant 96 : index
    %get3A_592 = tpu.vector_load %arg12[%get3A_591] {strides = array<i32>} : memref<128xi32, #tpu.memory_space<vmem>>, vector<16xi32>,
    tpu.vector_store_idx %arg14[%get3A_592], %broadcast_in_dim3A_5 {add = true} : memref<512xf32, #tpu.memory_space<vmem>>[vector<16xi32>], vector<16xf32>,
    %get3A_593 = arith.constant 112 : index
    %get3A_594 = tpu.vector_load %arg12[%get3A_593] {strides = array<i32>} : memref<128xi32, #tpu.memory_space<vmem>>, vector<16xi32>,
    tpu.vector_store_idx %arg14[%get3A_594], %broadcast_in_dim3A_5 {add = true} : memref<512xf32, #tpu.memory_space<vmem>>[vector<16xi32>], vector<16xf32>,
    %dma_wait3A_595 = arith.constant 0 : i32
    %dma_wait3A_596 = arith.constant 0 : i32
    %dma_wait3A_597 = tpu.memref_slice %arg9[%dma_wait3A_595, %dma_wait3A_596] : memref<256x128xf32, #tpu.memory_space<vmem>> -> memref<128x128xf32, #tpu.memory_space<vmem>>
    %dma_wait3A_598 = arith.constant 0 : i32
    %dma_wait3A_599 = arith.constant 0 : i32
    %dma_wait3A_600 = tpu.memref_slice %arg15[%dma_wait3A_598, %dma_wait3A_599] : memref<512x128xf32, #tpu.memory_space<vmem_shared>> -> memref<512x128xf32, #tpu.memory_space<vmem_shared>>
    tpu.wait_indirect_dma semaphore(%arg19 : memref<!tpu.dma_semaphore, #tpu.memory_space<semaphore_mem>>) src(%dma_wait3A_597 : memref<128x128xf32, #tpu.memory_space<vmem>>) dst(%dma_wait3A_600 : memref<512x128xf32, #tpu.memory_space<vmem_shared>>)
    %dma_wait3A_601 = arith.constant 128 : i32
    %dma_wait3A_602 = arith.constant 0 : i32
    %dma_wait3A_603 = tpu.memref_slice %arg9[%dma_wait3A_601, %dma_wait3A_602] : memref<256x128xf32, #tpu.memory_space<vmem>> -> memref<128x128xf32, #tpu.memory_space<vmem>>
    %dma_wait3A_604 = arith.constant 0 : i32
    %dma_wait3A_605 = arith.constant 0 : i32
    %dma_wait3A_606 = tpu.memref_slice %arg15[%dma_wait3A_604, %dma_wait3A_605] : memref<512x128xf32, #tpu.memory_space<vmem_shared>> -> memref<512x128xf32, #tpu.memory_space<vmem_shared>>
    tpu.wait_indirect_dma semaphore(%arg19 : memref<!tpu.dma_semaphore, #tpu.memory_space<semaphore_mem>>) src(%dma_wait3A_603 : memref<128x128xf32, #tpu.memory_space<vmem>>) dst(%dma_wait3A_606 : memref<512x128xf32, #tpu.memory_space<vmem_shared>>)
    %dma_wait3A_607 = arith.constant 0 : i32
    %dma_wait3A_608 = arith.constant 0 : i32
    %dma_wait3A_609 = tpu.memref_slice %arg8[%dma_wait3A_607, %dma_wait3A_608] : memref<256x128xf32, #tpu.memory_space<vmem>> -> memref<128x128xf32, #tpu.memory_space<vmem>>
    %dma_wait3A_610 = arith.constant 0 : i32
    %dma_wait3A_611 = arith.constant 0 : i32
    %dma_wait3A_612 = tpu.memref_slice %arg15[%dma_wait3A_610, %dma_wait3A_611] : memref<512x128xf32, #tpu.memory_space<vmem_shared>> -> memref<512x128xf32, #tpu.memory_space<vmem_shared>>
    tpu.wait_indirect_dma semaphore(%arg18 : memref<!tpu.dma_semaphore, #tpu.memory_space<semaphore_mem>>) src(%dma_wait3A_609 : memref<128x128xf32, #tpu.memory_space<vmem>>) dst(%dma_wait3A_612 : memref<512x128xf32, #tpu.memory_space<vmem_shared>>)
    %dma_wait3A_613 = arith.constant 128 : i32
    %dma_wait3A_614 = arith.constant 0 : i32
    %dma_wait3A_615 = tpu.memref_slice %arg8[%dma_wait3A_613, %dma_wait3A_614] : memref<256x128xf32, #tpu.memory_space<vmem>> -> memref<128x128xf32, #tpu.memory_space<vmem>>
    %dma_wait3A_616 = arith.constant 0 : i32
    %dma_wait3A_617 = arith.constant 0 : i32
    %dma_wait3A_618 = tpu.memref_slice %arg15[%dma_wait3A_616, %dma_wait3A_617] : memref<512x128xf32, #tpu.memory_space<vmem_shared>> -> memref<512x128xf32, #tpu.memory_space<vmem_shared>>
    tpu.wait_indirect_dma semaphore(%arg18 : memref<!tpu.dma_semaphore, #tpu.memory_space<semaphore_mem>>) src(%dma_wait3A_615 : memref<128x128xf32, #tpu.memory_space<vmem>>) dst(%dma_wait3A_618 : memref<512x128xf32, #tpu.memory_space<vmem_shared>>)
    "tpu.region"() ({
      %run_scoped3A = tpu.sem_alloc : memref<!tpu.dma_semaphore, #tpu.memory_space<semaphore_mem>>
      %dma_start3A_624 = arith.constant 0 : i32
      %dma_start3A_625 = tpu.memref_slice %arg7[%add3A, %dma_start3A_624] : memref<32x512xf32, #tpu.memory_space<hbm>> -> memref<1x512xf32, #tpu.memory_space<hbm>>
      %dma_start3A_626 = tpu.memref_squeeze %dma_start3A_625 : memref<1x512xf32, #tpu.memory_space<hbm>> -> memref<512xf32, #tpu.memory_space<hbm>>
      %dma_start3A_627 = arith.constant 0 : i32
      %dma_start3A_628 = tpu.memref_slice %arg7[%add3A, %dma_start3A_627] : memref<32x512xf32, #tpu.memory_space<hbm>> -> memref<1x512xf32, #tpu.memory_space<hbm>>
      %dma_start3A_629 = tpu.memref_squeeze %dma_start3A_628 : memref<1x512xf32, #tpu.memory_space<hbm>> -> memref<512xf32, #tpu.memory_space<hbm>>
      tpu.enqueue_dma source(%arg14 : memref<512xf32, #tpu.memory_space<vmem>>) target(%dma_start3A_629 : memref<512xf32, #tpu.memory_space<hbm>>) target_semaphore(%run_scoped3A : memref<!tpu.dma_semaphore, #tpu.memory_space<semaphore_mem>>)
      %dma_wait3A_630 = arith.constant 0 : i32
      %dma_wait3A_631 = tpu.memref_slice %arg7[%add3A, %dma_wait3A_630] : memref<32x512xf32, #tpu.memory_space<hbm>> -> memref<1x512xf32, #tpu.memory_space<hbm>>
      %dma_wait3A_632 = tpu.memref_squeeze %dma_wait3A_631 : memref<1x512xf32, #tpu.memory_space<hbm>> -> memref<512xf32, #tpu.memory_space<hbm>>
      %dma_wait3A_633 = arith.constant 0 : i32
      %dma_wait3A_634 = tpu.memref_slice %arg7[%add3A, %dma_wait3A_633] : memref<32x512xf32, #tpu.memory_space<hbm>> -> memref<1x512xf32, #tpu.memory_space<hbm>>
      %dma_wait3A_635 = tpu.memref_squeeze %dma_wait3A_634 : memref<1x512xf32, #tpu.memory_space<hbm>> -> memref<512xf32, #tpu.memory_space<hbm>>
      tpu.wait_dma2 semaphore(%run_scoped3A : memref<!tpu.dma_semaphore, #tpu.memory_space<semaphore_mem>>) src(%arg14 : memref<512xf32, #tpu.memory_space<vmem>>) dst(%dma_wait3A_635 : memref<512xf32, #tpu.memory_space<hbm>>)
      tpu.yield
    }) : () -> ()
    %barrier3A_619 = arith.constant 0 : index
    tpu.barrier barrier_id(%barrier3A_619)
    %mul3A_620 = arith.constant 32 : i32
    %mul3A_621 = arith.muli %arg1, %mul3A_620 : i32
    %mul3A_622 = arith.constant 32 : i32
    %mul3A_623 = arith.muli %arg1, %mul3A_622 : i32
    "tpu.region"() ({
      %run_scoped3A = tpu.sem_alloc : memref<!tpu.dma_semaphore, #tpu.memory_space<semaphore_mem>>
      %dma_start3A_624 = arith.constant 0 : i32
      %dma_start3A_625 = tpu.memref_slice %arg6[%arg0, %mul3A_623, %dma_start3A_624] : memref<2x512x128xf32, #tpu.memory_space<hbm>> -> memref<1x32x128xf32, #tpu.memory_space<hbm>>
      %dma_start3A_626 = tpu.memref_squeeze %dma_start3A_625 : memref<1x32x128xf32, #tpu.memory_space<hbm>> -> memref<32x128xf32, #tpu.memory_space<hbm>>
      %dma_start3A_627 = arith.constant 0 : i32
      %dma_start3A_628 = tpu.memref_slice %arg15[%mul3A_621, %dma_start3A_627] : memref<512x128xf32, #tpu.memory_space<vmem_shared>> -> memref<32x128xf32, #tpu.memory_space<vmem_shared>>
      tpu.enqueue_dma source(%dma_start3A_628 : memref<32x128xf32, #tpu.memory_space<vmem_shared>>) target(%dma_start3A_626 : memref<32x128xf32, #tpu.memory_space<hbm>>) target_semaphore(%run_scoped3A : memref<!tpu.dma_semaphore, #tpu.memory_space<semaphore_mem>>)
      %dma_wait3A_629 = arith.constant 0 : i32
      %dma_wait3A_630 = tpu.memref_slice %arg6[%arg0, %mul3A_623, %dma_wait3A_629] : memref<2x512x128xf32, #tpu.memory_space<hbm>> -> memref<1x32x128xf32, #tpu.memory_space<hbm>>
      %dma_wait3A_631 = tpu.memref_squeeze %dma_wait3A_630 : memref<1x32x128xf32, #tpu.memory_space<hbm>> -> memref<32x128xf32, #tpu.memory_space<hbm>>
      %dma_wait3A_632 = arith.constant 0 : i32
      %dma_wait3A_633 = tpu.memref_slice %arg15[%mul3A_621, %dma_wait3A_632] : memref<512x128xf32, #tpu.memory_space<vmem_shared>> -> memref<32x128xf32, #tpu.memory_space<vmem_shared>>
      tpu.wait_dma2 semaphore(%run_scoped3A : memref<!tpu.dma_semaphore, #tpu.memory_space<semaphore_mem>>) src(%dma_wait3A_633 : memref<32x128xf32, #tpu.memory_space<vmem_shared>>) dst(%dma_wait3A_631 : memref<32x128xf32, #tpu.memory_space<hbm>>)
      tpu.yield
    }) : () -> ()
    return
  }
}

module attributes {stable_mosaic.version = 14 : i64} {
  func.func @_combine_body(%arg0: memref<2x512x128xf32, #tpu.memory_space<vmem>>, %arg1: memref<32x512xf32, #tpu.memory_space<vmem>>, %arg2: memref<512x128xf32, #tpu.memory_space<vmem>>, %arg3: memref<512x1xf32, #tpu.memory_space<vmem>>, %arg4: memref<512x128xf32, #tpu.memory_space<vmem>>) attributes {dimension_semantics = [], scalar_prefetch = 0 : i64, scratch_operands = 0 : i64, tpu.core_type = #tpu.core_type<tc>} {
    %get3A = arith.constant 0 : index
    %get3A_0 = arith.constant 0 : index
    %get3A_1 = arith.constant 0 : index
    %get3A_2 = vector.load %arg0[%get3A, %get3A_0, %get3A_1] : memref<2x512x128xf32, #tpu.memory_space<vmem>>, vector<1x512x128xf32>
    %get3A_3 = vector.shape_cast %get3A_2 : vector<1x512x128xf32> to vector<512x128xf32>
    %get3A_4 = arith.constant 1 : index
    %get3A_5 = arith.constant 0 : index
    %get3A_6 = arith.constant 0 : index
    %get3A_7 = vector.load %arg0[%get3A_4, %get3A_5, %get3A_6] : memref<2x512x128xf32, #tpu.memory_space<vmem>>, vector<1x512x128xf32>
    %get3A_8 = vector.shape_cast %get3A_7 : vector<1x512x128xf32> to vector<512x128xf32>
    %add3A = arith.addf %get3A_3, %get3A_8 : vector<512x128xf32>
    %get3A_9 = arith.constant 0 : index
    %get3A_10 = arith.constant 0 : index
    %get3A_11 = vector.load %arg2[%get3A_9, %get3A_10] : memref<512x128xf32, #tpu.memory_space<vmem>>, vector<512x128xf32>
    %add3A_12 = arith.addf %add3A, %get3A_11 : vector<512x128xf32>
    %get3A_13 = arith.constant 0 : index
    %get3A_14 = arith.constant 0 : index
    %get3A_15 = vector.load %arg1[%get3A_13, %get3A_14] : memref<32x512xf32, #tpu.memory_space<vmem>>, vector<32x512xf32>
    %reduce_sum3A = arith.constant dense<0.000000e+00> : vector<512xf32>
    %reduce_sum3A_16 = vector.multi_reduction <add>, %get3A_15, %reduce_sum3A [0] : vector<32x512xf32> to vector<512xf32>
    %get3A_17 = arith.constant 0 : index
    %get3A_18 = arith.constant 0 : index
    %get3A_19 = vector.load %arg3[%get3A_17, %get3A_18] : memref<512x1xf32, #tpu.memory_space<vmem>>, vector<512x1xf32>
    %get3A_20 = vector.shape_cast %get3A_19 : vector<512x1xf32> to vector<512xf32>
    %add3A_21 = arith.addf %reduce_sum3A_16, %get3A_20 : vector<512xf32>
    %max3A = arith.constant 1.000000e+00 : f32
    %max3A_22 = vector.broadcast %max3A : f32 to vector<512xf32>
    %max3A_23 = arith.maximumf %add3A_21, %max3A_22 : vector<512xf32>
    %broadcast_in_dim3A = vector.shape_cast %max3A_23 : vector<512xf32> to vector<512x1xf32>
    %div3A = vector.broadcast %broadcast_in_dim3A : vector<512x1xf32> to vector<512x128xf32>
    %div3A_24 = arith.divf %add3A_12, %div3A : vector<512x128xf32>
    %swap3A = arith.constant 0 : index
    %swap3A_25 = arith.constant 0 : index
    %swap3A_26 = vector.load %arg4[%swap3A, %swap3A_25] : memref<512x128xf32, #tpu.memory_space<vmem>>, vector<512x128xf32>
    tpu.vector_store %arg4[%swap3A, %swap3A_25], %div3A_24 {strides = array<i32>} : memref<512x128xf32, #tpu.memory_space<vmem>>, vector<512x128xf32>,
    return
  }
}

module attributes {stable_mosaic.version = 14 : i64} {
  func.func @_tc_body(%arg0: i32, %arg1: memref<1x1x2048xi32, #tpu.memory_space<vmem>>, %arg2: memref<2048x128xf32, #tpu.memory_space<vmem>>, %arg3: memref<512x128xf32, #tpu.memory_space<vmem>>, %arg4: memref<512x1xf32, #tpu.memory_space<vmem>>) attributes {dimension_semantics = [#tpu.dimension_semantics<arbitrary>], iteration_bounds = array<i64: 21>, scalar_prefetch = 0 : i64, scratch_operands = 0 : i64, tpu.core_type = #tpu.core_type<tc>, window_params = [{transform_indices = @transform_0, window_bounds = array<i64: 1, 1, 2048>}, {transform_indices = @transform_1, window_bounds = array<i64: 2048, 128>}, {pipeline_mode = #tpu.pipeline_mode<synchronous>, transform_indices = @transform_2, window_bounds = array<i64: 512, 128>}, {pipeline_mode = #tpu.pipeline_mode<synchronous>, transform_indices = @transform_3, window_bounds = array<i64: 512, 1>}]} {
    %eq3A = arith.constant 0 : i32
    %eq3A_0 = arith.cmpi eq, %arg0, %eq3A : i32
    %convert_element_type3A = arith.extui %eq3A_0 : i1 to i32
    %cond3A = arith.constant 0 : i32
    %cond3A_1 = arith.cmpi ne, %convert_element_type3A, %cond3A : i32
    scf.if %cond3A_1 {
      %broadcast_in_dim3A_52 = arith.constant 0.000000e+00 : f32
      %broadcast_in_dim3A_53 = vector.broadcast %broadcast_in_dim3A_52 : f32 to vector<512x128xf32>
      %swap3A_54 = arith.constant 0 : index
      %swap3A_55 = arith.constant 0 : index
      %swap3A_56 = vector.load %arg3[%swap3A_54, %swap3A_55] : memref<512x128xf32, #tpu.memory_space<vmem>>, vector<512x128xf32>
      tpu.vector_store %arg3[%swap3A_54, %swap3A_55], %broadcast_in_dim3A_53 {strides = array<i32>} : memref<512x128xf32, #tpu.memory_space<vmem>>, vector<512x128xf32>,
      %broadcast_in_dim3A_57 = arith.constant 0.000000e+00 : f32
      %broadcast_in_dim3A_58 = vector.broadcast %broadcast_in_dim3A_57 : f32 to vector<512x1xf32>
      %swap3A_59 = arith.constant 0 : index
      %swap3A_60 = arith.constant 0 : index
      %swap3A_61 = vector.load %arg4[%swap3A_59, %swap3A_60] : memref<512x1xf32, #tpu.memory_space<vmem>>, vector<512x1xf32>
      tpu.vector_store %arg4[%swap3A_59, %swap3A_60], %broadcast_in_dim3A_58 {strides = array<i32>} : memref<512x1xf32, #tpu.memory_space<vmem>>, vector<512x1xf32>,
    } else {
    }
    %get3A = arith.constant 0 : index
    %get3A_2 = arith.constant 0 : index
    %get3A_3 = arith.constant 0 : index
    %get3A_4 = vector.load %arg1[%get3A, %get3A_2, %get3A_3] : memref<1x1x2048xi32, #tpu.memory_space<vmem>>, vector<1x1x2048xi32>
    %get3A_5 = vector.shape_cast %get3A_4 : vector<1x1x2048xi32> to vector<1x2048xi32>
    %convert_element_type3A_6 = arith.trunci %get3A_5 : vector<1x2048xi32> to vector<1x2048xi16>
    %iota3A = tpu.iota {dimensions = array<i32: 0>} : vector<512x1xi16>
    %iota3A_7 = tpu.iota {dimensions = array<i32: 1>} : vector<1x2048xi16>
    %mul3A = arith.constant 2048 : i32
    %mul3A_8 = arith.muli %arg0, %mul3A : i32
    %sub3A = arith.constant 42656 : i32
    %sub3A_9 = arith.subi %sub3A, %mul3A_8 : i32
    %min3A = arith.constant 2048 : i32
    %min3A_10 = arith.minsi %sub3A_9, %min3A : i32
    %convert_element_type3A_11 = arith.trunci %min3A_10 : i32 to i16
    %eq3A_12 = vector.broadcast %convert_element_type3A_6 : vector<1x2048xi16> to vector<512x2048xi16>
    %eq3A_13 = vector.broadcast %iota3A : vector<512x1xi16> to vector<512x2048xi16>
    %eq3A_14 = arith.cmpi eq, %eq3A_12, %eq3A_13 : vector<512x2048xi16>
    %lt3A = vector.broadcast %convert_element_type3A_11 : i16 to vector<1x2048xi16>
    %lt3A_15 = arith.cmpi slt, %iota3A_7, %lt3A : vector<1x2048xi16>
    %and3A = vector.broadcast %lt3A_15 : vector<1x2048xi1> to vector<512x2048xi1>
    %and3A_16 = arith.andi %eq3A_14, %and3A : vector<512x2048xi1>
    %jit3A = arith.constant 1.000000e+00 : bf16
    %jit3A_17 = arith.constant 0.000000e+00 : bf16
    %broadcast_in_dim3A = vector.broadcast %jit3A : bf16 to vector<512x2048xbf16>
    %broadcast_in_dim3A_18 = vector.broadcast %jit3A_17 : bf16 to vector<512x2048xbf16>
    %select_n3A = arith.select %and3A_16, %broadcast_in_dim3A, %broadcast_in_dim3A_18 : vector<512x2048xi1>, vector<512x2048xbf16>
    %iota3A_19 = tpu.iota {dimensions = array<i32: 0>} : vector<2048x1xi32>
    %mul3A_20 = arith.constant 2048 : i32
    %mul3A_21 = arith.muli %arg0, %mul3A_20 : i32
    %sub3A_22 = arith.constant 42656 : i32
    %sub3A_23 = arith.subi %sub3A_22, %mul3A_21 : i32
    %lt3A_24 = vector.broadcast %sub3A_23 : i32 to vector<2048x1xi32>
    %lt3A_25 = arith.cmpi slt, %iota3A_19, %lt3A_24 : vector<2048x1xi32>
    %get3A_26 = arith.constant 0 : index
    %get3A_27 = arith.constant 0 : index
    %get3A_28 = vector.load %arg2[%get3A_26, %get3A_27] : memref<2048x128xf32, #tpu.memory_space<vmem>>, vector<2048x128xf32>
    %jit3A_29 = arith.constant 0.000000e+00 : f32
    %broadcast_in_dim3A_30 = vector.shape_cast %lt3A_25 : vector<2048x1xi1> to vector<2048x1xi1>
    %broadcast_in_dim3A_31 = vector.broadcast %broadcast_in_dim3A_30 : vector<2048x1xi1> to vector<2048x128xi1>
    %broadcast_in_dim3A_32 = vector.broadcast %jit3A_29 : f32 to vector<2048x128xf32>
    %select_n3A_33 = arith.select %broadcast_in_dim3A_31, %get3A_28, %broadcast_in_dim3A_32 : vector<2048x128xi1>, vector<2048x128xf32>
    %get3A_34 = arith.constant 0 : index
    %get3A_35 = arith.constant 0 : index
    %get3A_36 = vector.load %arg3[%get3A_34, %get3A_35] : memref<512x128xf32, #tpu.memory_space<vmem>>, vector<512x128xf32>
    %convert_element_type3A_37 = arith.truncf %select_n3A_33 : vector<2048x128xf32> to vector<2048x128xbf16>
    %dot_general3A = arith.constant dense<0.000000e+00> : vector<512x128xf32>
    %dot_general3A_38 = tpu.matmul %select_n3A, %convert_element_type3A_37, %dot_general3A {dimension_numbers = #tpu.dot_dimension_numbers<[1], [0], [0], [1], [0, 0, 1, 1], [], []>, transpose_lhs_hint = false} : vector<512x2048xbf16>, vector<2048x128xbf16>, vector<512x128xf32> -> vector<512x128xf32>
    %add3A = arith.addf %get3A_36, %dot_general3A_38 : vector<512x128xf32>
    %swap3A = arith.constant 0 : index
    %swap3A_39 = arith.constant 0 : index
    %swap3A_40 = vector.load %arg3[%swap3A, %swap3A_39] : memref<512x128xf32, #tpu.memory_space<vmem>>, vector<512x128xf32>
    tpu.vector_store %arg3[%swap3A, %swap3A_39], %add3A {strides = array<i32>} : memref<512x128xf32, #tpu.memory_space<vmem>>, vector<512x128xf32>,
    %get3A_41 = arith.constant 0 : index
    %get3A_42 = arith.constant 0 : index
    %get3A_43 = vector.load %arg4[%get3A_41, %get3A_42] : memref<512x1xf32, #tpu.memory_space<vmem>>, vector<512x1xf32>
    %broadcast_in_dim3A_44 = arith.constant 1.000000e+00 : bf16
    %broadcast_in_dim3A_45 = vector.broadcast %broadcast_in_dim3A_44 : bf16 to vector<2048x1xbf16>
    %dot_general3A_46 = arith.constant dense<0.000000e+00> : vector<512x1xf32>
    %dot_general3A_47 = tpu.matmul %select_n3A, %broadcast_in_dim3A_45, %dot_general3A_46 {dimension_numbers = #tpu.dot_dimension_numbers<[1], [0], [0], [1], [0, 0, 1, 1], [], []>, transpose_lhs_hint = false} : vector<512x2048xbf16>, vector<2048x1xbf16>, vector<512x1xf32> -> vector<512x1xf32>
    %add3A_48 = arith.addf %get3A_43, %dot_general3A_47 : vector<512x1xf32>
    %swap3A_49 = arith.constant 0 : index
    %swap3A_50 = arith.constant 0 : index
    %swap3A_51 = vector.load %arg4[%swap3A_49, %swap3A_50] : memref<512x1xf32, #tpu.memory_space<vmem>>, vector<512x1xf32>
    tpu.vector_store %arg4[%swap3A_49, %swap3A_50], %add3A_48 {strides = array<i32>} : memref<512x1xf32, #tpu.memory_space<vmem>>, vector<512x1xf32>,
    return
  }
  func.func @transform_0(%arg0: i32) -> (i32, i32, i32) {
    %c0_i32 = arith.constant 0 : i32
    %c0_i32_0 = arith.constant 0 : i32
    %c0_i32_1 = arith.constant 0 : i32
    return %arg0, %c0_i32, %c0_i32_0 : i32, i32, i32
  }
  func.func @transform_1(%arg0: i32) -> (i32, i32) {
    %add3A = arith.constant 28 : i32
    %add3A_0 = arith.addi %add3A, %arg0 : i32
    %c0_i32 = arith.constant 0 : i32
    %c0_i32_1 = arith.constant 0 : i32
    return %add3A_0, %c0_i32 : i32, i32
  }
  func.func @transform_2(%arg0: i32) -> (i32, i32) {
    %c0_i32 = arith.constant 0 : i32
    %c0_i32_0 = arith.constant 0 : i32
    %c0_i32_1 = arith.constant 0 : i32
    return %c0_i32, %c0_i32_0 : i32, i32
  }
  func.func @transform_3(%arg0: i32) -> (i32, i32) {
    %c0_i32 = arith.constant 0 : i32
    %c0_i32_0 = arith.constant 0 : i32
    %c0_i32_1 = arith.constant 0 : i32
    return %c0_i32, %c0_i32_0 : i32, i32
  }
}

</mosaic_0001>

<sc_bundles>
// kernel: kernel.5.cloned.1.call-start
scs
__scs_entry_jumppad:
0x0: {  	(pc) =	sbr.rel $0x88, $3  }
0x1: {  	(tag) =	ssettag $0x0;
	lr =	simm.s32 $0x1  }
0x2: {  	[smem:$0x3F9F] =	sst lr;
	_ =	strace $0xD0000000  }
0x3: {  	_ = 	snop  }
0x4: {  	_ = 	snop  }
0x5: {  	_ = 	snop  }
0x6: {  	_ = 	snop  }
0x7: {  	_ = 	snop  }
__scs_overlays_trampoline_lowered:
0x8: {  	[smem:$0x3FAE] =	sst s0  }
0x9: {  	[smem:$0x3FAF] =	sst s1  }
0xa: {  	[smem:$0x3FB0] =	sst s2  }
0xb: {  	[smem:$0x3FB1] =	sst s3  }
0xc: {  	[smem:$0x3FB2] =	sst s4  }
0xd: {  	[smem:$0x3FB3] =	sst s5  }
0xe: {  	[smem:$0x3FB4] =	sst s6  }
0xf: {  	[smem:$0x3FB5] =	sst s7  }
0x10: {  	[smem:$0x3FB6] =	sst s8  }
0x11: {  	[smem:$0x3FB7] =	sst s9;
	s0 =	simm.s32 @!p0 $0x0  }
0x12: {  	s1 =	sld [smem:$0x3F9D];
	s0 =	simm.s32 @p0 $0x1  }
0x13: {  	[smem:$0x3FB8] =	sst s0;
	s0 =	simm.s32 @!p1 $0x0  }
0x14: {  	s2 =	sld [smem:$0x3F9C];
	s0 =	simm.s32 @p1 $0x1  }
0x15: {  	[smem:$0x3FB9] =	sst s0;
	s0 =	simm.s32 @!p2 $0x0  }
0x16: {  	s3 =	sld [smem:$0x3FDB];
	s0 =	simm.s32 @p2 $0x1  }
0x17: {  	s4 =	simm.s32 $0x1BF5;
	[smem:$0x3FBB] =	sst s0  }
0x18: {  	s0 =	sld [smem:$0x3F9E];
	_ =	swait.ge [sflag:s4], $0x0  }
0x19: {  	s7 =	sld [smem:$0x3F9F]  }
0x1a: {  	s8 =	sadd.s32 $0xFFFFE003, lr  }
0x1b: {  	s9 =	sadd.s32 $0xFFFFFEF7, lr;
	s5 =	simm.s32 $0xFFFFFFFF;
	p2 =	slt.u32 s8, $0xFFFFF086  }
0x1c: {  	p1 =	slt.u32 s9, $0xF7A;
	s5 =	simm.s32 @!p2 $0x0  }
0x1d: {  	s5 =	simm.s32 @p1 $0x1;
	p0 =	seq.s32 s7, s2  }
0x1e: {  	s7 =	smul.u32 @!p0 $0xF7A, s2;
	p2 =	seq.s32 @!p0 s5, $0x0  }
0x1f: {  	s9 =	smul.u32 $0xF7A, s1;
	s8 =	simm.s32 @!p0 $0x1BF5;
	p2 =	por !p2, p0  }
0x20: {  	[sflag:s8] =	ssyncset.s32 @!p0 $0xFFFFF086;
	s6 =	sadd.s32 @!p0 s3, s7;
	s7 =	simm.s32 @!p0 $0x108  }
0x21: {  	s3 =	sadd.s32 s3, s9;
	s6 =	sadd.s32 @!p0 $0x88, s6;
	s7 =	simm.s32 @p2 $0x1082  }
0x22: {  	[simem:s7], [sflag:s8] =	dma.local @!p0 [hbm:s6], $0xF7A  }
0x23: {  	s9 =	sor.u32 $0xD0000000, s2;
	s6 =	simm.s32 $0x108;
	_ =	swait.ge @!p0 [sflag:s8], $0x0  }
0x24: {  	s3 =	sadd.s32 $0x88, s3;
	s6 =	simm.s32 @!p1 $0x1082;
	[sflag:s4] =	ssyncset.s32 $0xFFFFF086  }
0x25: {  	[simem:s6], [sflag:s4] =	dma.local [hbm:s3], $0xF7A  }
0x26: {  	[smem:$0x3F9F] =	sst s1;
	(tag) =	ssettag s2;
	_ =	strace s9  }
0x27: {  	s1 =	sld [smem:$0x3FAF]  }
0x28: {  	s2 =	sld [smem:$0x3FB0]  }
0x29: {  	s4 =	sld [smem:$0x3FB2]  }
0x2a: {  	p0 =	seq.s32 s5, $0x0;
	s5 =	sld [smem:$0x3FB3]  }
0x2b: {  	s6 =	sld [smem:$0x3FB4]  }
0x2c: {  	s7 =	sld [smem:$0x3FB5]  }
0x2d: {  	s3 =	simm.s32 $0x108;
	s8 =	sld [smem:$0x3FB6]  }
0x2e: {  	s3 =	simm.s32 @!p0 $0x1082;
	s9 =	sld [smem:$0x3FB7]  }
0x2f: {  	lr =	sadd.s32 s0, s3;
	s0 =	sld [smem:$0x3FAE]  }
0x30: {  	s3 =	sld [smem:$0x3FB1]  }
0x31: {  	[smem:$0x3FBA] =	sst s10  }
0x32: {  	s10 =	sld [smem:$0x3FB8];
	_ =	sdelay $0x3  }
0x33: {  	p0 =	seq.s32 s10, $0x1;
	s10 =	sld [smem:$0x3FBA];
	_ =	sdelay $0x3  }
0x34: {  	[smem:$0x3FBA] =	sst s10  }
0x35: {  	s10 =	sld [smem:$0x3FB9];
	_ =	sdelay $0x3  }
0x36: {  	p1 =	seq.s32 s10, $0x1;
	s10 =	sld [smem:$0x3FBA];
	_ =	sdelay $0x3  }
0x37: {  	[smem:$0x3FBA] =	sst s10  }
0x38: {  	s10 =	sld [smem:$0x3FBB]  }
0x39: {  	_ = 	snop;
	(pc) =	sbr.ind lr, $3  }
0x3a: {  	_ = 	snop  }
0x3b: {  	_ = 	snop  }
0x3c: {  	p2 =	seq.s32 s10, $0x1;
	s10 =	sld [smem:$0x3FBA]  }
0x3d: {  	_ =	shalt  }
0x3e: {  	_ =	shalt  }
0x3f: {  	_ =	shalt  }
0x40: {  	_ =	shalt  }
0x41: {  	_ =	shalt  }
0x42: {  	_ =	shalt  }
0x43: {  	_ =	shalt  }
0x44: {  	_ =	shalt  }
0x45: {  	_ =	shalt  }
0x46: {  	_ =	shalt  }
0x47: {  	_ =	shalt  }
0x48: {  	_ =	shalt  }
0x49: {  	_ =	shalt  }
0x4a: {  	_ =	shalt  }
0x4b: {  	_ =	shalt  }
0x4c: {  	_ =	shalt  }
0x4d: {  	_ =	shalt  }
0x4e: {  	_ =	shalt  }
0x4f: {  	_ =	shalt  }
0x50: {  	_ =	shalt  }
0x51: {  	_ =	shalt  }
0x52: {  	_ =	shalt  }
0x53: {  	_ =	shalt  }
0x54: {  	_ =	shalt  }
0x55: {  	_ =	shalt  }
0x56: {  	_ =	shalt  }
0x57: {  	_ =	shalt  }
0x58: {  	_ =	shalt  }
0x59: {  	_ =	shalt  }
0x5a: {  	_ =	shalt  }
0x5b: {  	_ =	shalt  }
0x5c: {  	_ =	shalt  }
0x5d: {  	_ =	shalt  }
0x5e: {  	_ =	shalt  }
0x5f: {  	_ =	shalt  }
0x60: {  	_ =	shalt  }
0x61: {  	_ =	shalt  }
0x62: {  	_ =	shalt  }
0x63: {  	_ =	shalt  }
0x64: {  	_ =	shalt  }
0x65: {  	_ =	shalt  }
0x66: {  	_ =	shalt  }
0x67: {  	_ =	shalt  }
0x68: {  	_ =	shalt  }
0x69: {  	_ =	shalt  }
0x6a: {  	_ =	shalt  }
0x6b: {  	_ =	shalt  }
0x6c: {  	_ =	shalt  }
0x6d: {  	_ =	shalt  }
0x6e: {  	_ =	shalt  }
0x6f: {  	_ =	shalt  }
0x70: {  	_ =	shalt  }
0x71: {  	_ =	shalt  }
0x72: {  	_ =	shalt  }
0x73: {  	_ =	shalt  }
0x74: {  	_ =	shalt  }
0x75: {  	_ =	shalt  }
0x76: {  	_ =	shalt  }
0x77: {  	_ =	shalt  }
0x78: {  	_ =	shalt  }
0x79: {  	_ =	shalt  }
0x7a: {  	_ =	shalt  }
0x7b: {  	_ =	shalt  }
0x7c: {  	_ =	shalt  }
0x7d: {  	_ =	shalt  }
0x7e: {  	_ =	shalt  }
0x7f: {  	_ =	shalt  }
0x80: {  	_ =	shalt  }
0x81: {  	_ =	shalt  }
0x82: {  	_ =	shalt  }
0x83: {  	_ =	shalt  }
0x84: {  	_ =	shalt  }
0x85: {  	_ =	shalt  }
0x86: {  	_ =	shalt  }
0x87: {  	_ =	shalt  }
.Lfunc_end0:
.L_simem_size_0:
called_computation_lowered:
.L_overlay_start_0:
0x88: {  	s2 =	sld [smem:$0x3FD9]  }
0x89: {  	s3 =	sld [smem:$0x3FFE];
	_ =	sdelay $0x1  }
0x8a: {  	s1 =	srdreg.scid  }
0x8b: {  	s0 =	sand.u32 $0x1, s1  }
0x8c: {  	s17 =	sshll.u32 s0, $0xA;
	s2 =	sadd.s32 s3, s2  }
0x8d: {  	s2 =	sadd.s32 s2, s17  }
0x8e: {  	[smem:$0x3FC6] =	sst s2  }
0x8f: {  	_ = 	snop  }
0x90: {  	s2 =	sld [smem:$0x3FC9]  }
0x91: {  	s18 =	sld [smem:$0x3FC8]  }
0x92: {  	s4 =	sld [smem:$0x3FD0];
	(tm) =	ssettm $0x1  }
0x93: {  	s5 =	sld [smem:$0x3FFB];
	_ =	sdelay $0x3  }
0x94: {  	_ =	strace s5  }
0x95: {  	s5 =	sld [smem:$0x3FFC];
	_ =	sdelay $0x3  }
0x96: {  	_ =	strace s5  }
0x97: {  	s5 =	sld [smem:$0x3FFD];
	_ =	sdelay $0x3  }
0x98: {  	_ =	strace s5  }
0x99: {  	_ =	strace $0x8FFFFFFF  }
0x9a: {  	s19 =	sld [smem:$0x3FDB];
	_ =	sdelay $0x1  }
0x9b: {  	s6 =	simm.s32 $_scs_section_size  }
0x9c: {  	s7 =	simm.s32 $_size__tile_overlayer_lowered;
	s8 =	simm.s32 $_tile_overlayer_lowered  }
0x9d: {  	s22 =	simm.s32 $0x1BFF;
	s21 =	sshll.u32 s8, $0x1;
	s5 =	sadd.s32 s6, s19  }
0x9e: {  	s9 =	simm.s32 $0x0;
	s20 =	sshll.u32 s7, $0x1;
	s7 =	sadd.s32 s21, s5  }
0x9f: {  	[timem:s9], [sflag:s22] =	dma.local [hbm:s7], s20  }
0xa0: {  	_ =	swait.ge [sflag:s22], s20  }
0xa1: {  	s6 =	ssub.s32 $0x0, s20;
	[sflag:s22] =	ssyncset.done $0x0  }
0xa2: {  	[sflag:s22] =	ssyncadd.s32 s6;
	_ =	sdelay $0x1  }
0xa3: {  	s23 =	simm.s32 $0x1B8B  }
0xa4: {  	_ =	swait.ge [sflag:s23], $0x1  }
0xa5: {  	[sflag:s23] =	ssyncset.done $0x0  }
0xa6: {  	s25 =	simm.s32 $0x1B8E;
	s24 =	sld [smem:$0x3FFE];
	[sflag:s23] =	ssyncadd.s32 $0xFFFFFFFF  }
0xa7: {  	s26 =	simm.s32 $execute0_lowered;
	[smem:$0x3FD2] =	sst s25  }
0xa8: {  	s7 =	sshll.u32 s26, $0x1;
	_ =	strace $0x80000046;
	[dreg:$0x1] =	wrdreg $0xFFFFFFFF  }
0xa9: {  	s28 =	simm.s32 $_size_execute0_lowered;
	s5 =	sadd.s32 s5, s7;
	[dreg:$0x0] =	wrdreg $0x0  }
0xaa: {  	s7 =	sshll.u32 s28, $0x1;
	[dreg:$0x2] =	wrdreg s5  }
0xab: {  	[dreg:$0x3] =	wrdreg s7  }
0xac: {  	[dreg:$0x4] =	wrdreg $0xC0  }
0xad: {  	_ =	task [dreg:s9], $0x5FFFF  }
0xae: {  	[dreg:$0x1] =	wrdreg $0xFFFFFFFF  }
0xaf: {  	[dreg:$0x0] =	wrdreg $0x60  }
0xb0: {  	[dreg:$0x2] =	wrdreg s2  }
0xb1: {  	[dreg:$0x3] =	wrdreg s18  }
0xb2: {  	[dreg:$0x4] =	wrdreg s4  }
0xb3: {  	[dreg:$0x5] =	wrdreg s24  }
0xb4: {  	[dreg:$0x6] =	wrdreg $0x104000  }
0xb5: {  	[dreg:$0x7] =	wrdreg $0x9  }
0xb6: {  	_ =	task.clear_ibuf [dreg:s9], $0x8FFFF;
	_ =	strace $0x90000046  }
0xb7: {  	s29 =	simm.s32 $0x9;
	_ =	strace $0x80000048  }
0xb8: {  	_ =	swait.ge [sflag:s29], $0x1  }
0xb9: {  	[sflag:s29] =	ssyncadd.s32 $0xFFFFFFFF  }
0xba: {  	_ =	strace $0x90000048  }
0xbb: {  	_ =	sfence  }
0xbc: {  	s30 =	sld [smem:$0x0];
	_ =	sdelay $0x2  }
0xbd: {  	s31 =	sshll.u32 s1, $0xD;
	s1 =	sshrl.u32 s1, $0x2  }
0xbe: {  	s3 =	sand.u32 $0x4000, s31;
	s1 =	sadd.s32 s1, s30  }
0xbf: {  	s0 =	sor.u32 s3, s0;
	s1 =	sshll.u32 s1, $0x11  }
0xc0: {  	s0 =	sor.u32 s1, s0  }
0xc1: {  	s0 =	sadd.s32 $0x8F2B, s0  }
0xc2: {  	[sflag:s0] =	ssyncadd.remote.s32 $0x1  }
0xc3: {  	_ =	sfence.sel $0xFFFF  }
0xc4: {  	[dreg:$0x0] =	wrdreg $0xFFFFFFFF;
	(pc) =	sbr.abs _section_cstart, $3  }
0xc5: {  	[dreg:$0x1] =	wrdreg $0xFFFFFFFF  }
0xc6: {  	_ =	task.clear_ibuf [dreg:s9], $0x2FFFF;
	_ =	strace $0x9FFFFFFF  }
0xc7: {  	(tm) =	ssettm $0x7FFFFFFF  }
tec
execute0_lowered:
.L_overlay_start_1:
0x0: {  	(tag) =	ssettag $0x1  }
0x1: {  	s10 =	rddreg [dreg:$0x0]  }
0x2: {  	s0 =	rddreg [dreg:$0x1]  }
0x3: {  	s4 =	rddreg [dreg:$0x2]  }
0x4: {  	s5 =	rddreg [dreg:$0x3]  }
0x5: {  	s1 =	rddreg [dreg:$0x4]  }
0x6: {  	s3 =	simm.s32 $0x0;
	s2 =	stileid.u32;
	s8 =	srdreg.scid  }
0x7: {  	s28 =	simm.s32 $0x2;
	s29 =	simm.s32 $0xC000;
	s30 =	simm.s32 $0x3  }
0x8: {  	s31 =	simm.s32 $0x4;
	[smem:$0x7FF] =	sst s3;
	s6 =	sadd.s32 $0xE00, s5  }
0x9: {  	s7 =	sshll.u32 s2, $0x9;
	s12 =	sand.u32 $0x1, s8;
	s18 =	sshll.u32 s2, $0x4  }
0xa: {  	s19 =	sshll.u32 s2, $0xC;
	_ =	strace $0x80000047;
	[dreg:$0x6] =	wrdreg s6  }
0xb: {  	s14 =	sadd.s32 s7, s5;
	s8 =	ssub.s32 $0x2, s12;
	s9 =	sshll.u32 s12, $0x4  }
0xc: {  	s6 =	sand.u32 $0x70, s18;
	s4 =	sadd.s32 s4, s7;
	s16 =	sadd.s32 s19, s1  }
0xd: {  	s11 =	sshrl.u32 s8, $0x1;
	s17 =	sor.u32 s2, s9;
	s13 =	sadd.s32 s6, s5  }
0xe: {  	[dreg:$0x7] =	wrdreg s4;
	s16 =	sshrl.u32 s16, $0x3;
	s9 =	smul.u32 $0x700, s17  }
0xf: {  	s15 =	ssub.s32 s8, s11;
	s20 =	smul.u32 $0x7000, s17;
	s17 =	sshll.u32 s17, $0x6  }
0x10: {  	s17 =	sand.u32 $0x600, s17;
	s15 =	smax.u32 s15, $0x1;
	s21 =	sshrl.u32 s9, $0x3  }
0x11: {  	s22 =	sadd.s32 s10, s20;
	s23 =	sadd.s32 $0x100, s9;
	s4 =	sadd.s32 s0, s21  }
0x12: {  	[dreg:$0x8] =	wrdreg s22;
	s25 =	sshll.u32 s23, $0x4;
	s24 =	sadd.s32 $0x10, s4  }
0x13: {  	s6 =	sshrl.u32 s23, $0x3;
	s26 =	sadd.s32 s10, s25;
	[dreg:$0x9] =	wrdreg s24  }
0x14: {  	s8 =	sadd.s32 $0x200, s9;
	s7 =	sadd.s32 s0, s6;
	[dreg:$0xa] =	wrdreg s26  }
0x15: {  	s18 =	sshll.u32 s8, $0x4;
	s11 =	sadd.s32 $0x30, s4;
	[dreg:$0xb] =	wrdreg s7  }
0x16: {  	s21 =	sadd.s32 $0x300, s9;
	s19 =	sadd.s32 s10, s18;
	[dreg:$0xc] =	wrdreg s11  }
0x17: {  	s6 =	sshrl.u32 s8, $0x3;
	s22 =	sadd.s32 $0x50, s4;
	[dreg:$0xd] =	wrdreg s19  }
0x18: {  	s23 =	sshll.u32 s21, $0x4;
	s8 =	sadd.s32 $0x70, s4;
	[dreg:$0xf] =	wrdreg s22  }
0x19: {  	s20 =	sadd.s32 s0, s6;
	s24 =	sadd.s32 s10, s23;
	[dreg:$0x12] =	wrdreg s8  }
0x1a: {  	s6 =	sshrl.u32 s21, $0x3;
	s26 =	sadd.s32 $0x400, s9;
	[dreg:$0xe] =	wrdreg s20  }
0x1b: {  	s19 =	sshll.u32 s2, $0x6;
	s23 =	sadd.s32 $0x600, s9;
	[dreg:$0x10] =	wrdreg s24  }
0x1c: {  	s25 =	sadd.s32 s0, s6;
	s11 =	sshll.u32 s26, $0x4;
	s6 =	sshrl.u32 s26, $0x3  }
0x1d: {  	s5 =	sor.u32 $0x1C05, s19;
	s20 =	sadd.s32 $0x500, s9;
	s9 =	sadd.s32 $0xB0, s4  }
0x1e: {  	s24 =	sadd.s32 s17, s13;
	s17 =	simm.s32 $0x5;
	s19 =	simm.s32 $0x10000  }
0x1f: {  	[dreg:$0x11] =	wrdreg s25;
	s18 =	sadd.s32 s10, s11;
	s6 =	sadd.s32 s0, s6  }
0x20: {  	s21 =	sshll.u32 s20, $0x4;
	s22 =	sshrl.u32 s20, $0x3;
	s11 =	sshrl.u32 s23, $0x3  }
0x21: {  	s25 =	sshll.u32 s12, $0xD;
	s12 =	sadd.s32 $0xD0, s4;
	s13 =	sadd.s32 $0x5000, s24  }
0x22: {  	s20 =	simm.s32 $0x10100;
	s24 =	simm.s32 $0x8000;
	[dreg:$0x13] =	wrdreg s18  }
0x23: {  	[dreg:$0x14] =	wrdreg s6;
	s6 =	sadd.s32 $0x90, s4;
	s7 =	sadd.s32 s10, s21  }
0x24: {  	s8 =	sadd.s32 s0, s22;
	s18 =	sshll.u32 s23, $0x4;
	s11 =	sadd.s32 s0, s11  }
0x25: {  	s26 =	sadd.s32 s25, s14;
	s21 =	simm.s32 $0x1;
	s22 =	simm.s32 $0x80  }
0x26: {  	s23 =	simm.s32 $0x4000;
	s25 =	simm.s32 $0x10080;
	s10 =	sadd.s32 s10, s18  }
0x27: {  	v0 =	vimm.f32 $1.000000000e+00;
	s14 =	sadd.s32 $0x1000, s26;
	s18 =	simm.s32 $0x10200;
	s26 =	simm.s32 $0x10180  }
.LBB2_1:
0x28: {  	s2 =	rddreg [dreg:$0x7]  }
0x29: {  	[spmem:s16], [sflag:s5] =	dma.local [hbm:s2], $0x200  }
0x2a: {  	_ =	swait.ge [sflag:s17], $0x200  }
0x2b: {  	[sflag:s17] =	ssyncset.done $0x0  }
0x2c: {  	s0 =	rddreg [dreg:$0x6];
	[sflag:s17] =	ssyncadd.s32 $0xFFFFFE00  }
0x2d: {  	[tilespmem:s18], [sflag:$0x5] =	stream.linear.gather [hbm4b:s0+s3], $0x200, $0x38;
	[tilespmem:$0x11400] =	vst v63  }
0x2e: {  	_ =	swait.ge [sflag:s17], $0x200  }
0x2f: {  	[sflag:s17] =	ssyncset.done $0x0  }
0x30: {  	[sflag:s17] =	ssyncadd.s32 $0xFFFFFE00  }
0x31: {  	[bflag:$0x0] =	sbarrier.arrive $0xFFFF  }
0x32: {  	s0 =	rddreg [dreg:$0x8]  }
0x33: {  	[tilespmem:s3], [sflag:$0x1] =	stream.linear.gather [hbm4b:s0+s3], $0x8000, $0x38;
	[tilespmem:$0x11400] =	vst v63  }
0x34: {  	_ = 	snop  }
0x35: {  	[tilespmem:s19], [sflag:$0x1] =	stream.linear.gather [hbm4b:s4+s3], $0x80, $0x38;
	[tilespmem:$0x11400] =	vst v63  }
0x36: {  	s0 =	rddreg [dreg:$0x9]  }
0x37: {  	[tilespmem:s20], [sflag:$0x1] =	stream.linear.gather [hbm4b:s0+s3], $0x80, $0x38;
	[tilespmem:$0x11400] =	vst v63  }
0x38: {  	_ =	swait.ge [sflag:s21], $0x8000  }
0x39: {  	[sflag:s21] =	ssyncset.done $0x0  }
0x3a: {  	[sflag:s21] =	ssyncadd.s32 $0xFFFF8000  }
0x3b: {  	_ =	swait.ge [sflag:s21], $0x80  }
0x3c: {  	[sflag:s21] =	ssyncset.done $0x0  }
0x3d: {  	[sflag:s21] =	ssyncadd.s32 $0xFFFFFF80  }
0x3e: {  	_ =	swait.ge [sflag:s21], $0x80  }
0x3f: {  	[sflag:s21] =	ssyncset.done $0x0  }
0x40: {  	[sflag:s21] =	ssyncadd.s32 $0xFFFFFF80  }
0x41: {  	[spmem:s1] =	stream.indirect.scatter.add.f32 [tilespmem:s3], [sflag:$0x3], $0x80, s19, s22, $0xb8;
	[tilespmem:$0x11400] =	vst v63  }
0x42: {  	_ = 	snop  }
0x43: {  	[spmem:s1] =	stream.indirect.scatter.add.f32 [tilespmem:s23], [sflag:$0x3], $0x80, s20, s22, $0xb8;
	[tilespmem:$0x11400] =	vst v63  }
0x44: {  	v1 =	vld [tilespmem:$0x10000];
	_ =	sdelay $0x7  }
0x45: {  	[tilespmem:v1+s18+$0x0] =	vst.idx.add.f32.msk $0xffff, v0  }
0x46: {  	v1 =	vld [tilespmem:$0x10010];
	_ =	sdelay $0x7  }
0x47: {  	[tilespmem:v1+s18+$0x0] =	vst.idx.add.f32.msk $0xffff, v0  }
0x48: {  	v1 =	vld [tilespmem:$0x10020];
	_ =	sdelay $0x7  }
0x49: {  	[tilespmem:v1+s18+$0x0] =	vst.idx.add.f32.msk $0xffff, v0  }
0x4a: {  	v1 =	vld [tilespmem:$0x10030];
	_ =	sdelay $0x7  }
0x4b: {  	[tilespmem:v1+s18+$0x0] =	vst.idx.add.f32.msk $0xffff, v0  }
0x4c: {  	v1 =	vld [tilespmem:$0x10040];
	_ =	sdelay $0x7  }
0x4d: {  	[tilespmem:v1+s18+$0x0] =	vst.idx.add.f32.msk $0xffff, v0  }
0x4e: {  	v1 =	vld [tilespmem:$0x10050];
	_ =	sdelay $0x7  }
0x4f: {  	[tilespmem:v1+s18+$0x0] =	vst.idx.add.f32.msk $0xffff, v0  }
0x50: {  	v1 =	vld [tilespmem:$0x10060];
	_ =	sdelay $0x7  }
0x51: {  	[tilespmem:v1+s18+$0x0] =	vst.idx.add.f32.msk $0xffff, v0  }
0x52: {  	v1 =	vld [tilespmem:$0x10070];
	_ =	sdelay $0x7  }
0x53: {  	[tilespmem:v1+s18+$0x0] =	vst.idx.add.f32.msk $0xffff, v0  }
0x54: {  	v1 =	vld [tilespmem:$0x10100];
	_ =	sdelay $0x7  }
0x55: {  	[tilespmem:v1+s18+$0x0] =	vst.idx.add.f32.msk $0xffff, v0  }
0x56: {  	v1 =	vld [tilespmem:$0x10110];
	_ =	sdelay $0x7  }
0x57: {  	[tilespmem:v1+s18+$0x0] =	vst.idx.add.f32.msk $0xffff, v0  }
0x58: {  	v1 =	vld [tilespmem:$0x10120];
	_ =	sdelay $0x7  }
0x59: {  	[tilespmem:v1+s18+$0x0] =	vst.idx.add.f32.msk $0xffff, v0  }
0x5a: {  	v1 =	vld [tilespmem:$0x10130];
	_ =	sdelay $0x7  }
0x5b: {  	[tilespmem:v1+s18+$0x0] =	vst.idx.add.f32.msk $0xffff, v0  }
0x5c: {  	v1 =	vld [tilespmem:$0x10140];
	_ =	sdelay $0x7  }
0x5d: {  	[tilespmem:v1+s18+$0x0] =	vst.idx.add.f32.msk $0xffff, v0  }
0x5e: {  	v1 =	vld [tilespmem:$0x10150];
	_ =	sdelay $0x7  }
0x5f: {  	[tilespmem:v1+s18+$0x0] =	vst.idx.add.f32.msk $0xffff, v0  }
0x60: {  	v1 =	vld [tilespmem:$0x10160];
	_ =	sdelay $0x7  }
0x61: {  	[tilespmem:v1+s18+$0x0] =	vst.idx.add.f32.msk $0xffff, v0  }
0x62: {  	v1 =	vld [tilespmem:$0x10170];
	_ =	sdelay $0x7  }
0x63: {  	s2 =	rddreg [dreg:$0xa];
	[tilespmem:v1+s18+$0x0] =	vst.idx.add.f32.msk $0xffff, v0  }
0x64: {  	[tilespmem:s24], [sflag:$0x2] =	stream.linear.gather [hbm4b:s2+s3], $0x8000, $0x38;
	[tilespmem:$0x11400] =	vst v63  }
0x65: {  	s0 =	rddreg [dreg:$0xb]  }
0x66: {  	[tilespmem:s25], [sflag:$0x2] =	stream.linear.gather [hbm4b:s0+s3], $0x80, $0x38;
	[tilespmem:$0x11400] =	vst v63  }
0x67: {  	s2 =	rddreg [dreg:$0xc]  }
0x68: {  	[tilespmem:s26], [sflag:$0x2] =	stream.linear.gather [hbm4b:s2+s3], $0x80, $0x38;
	[tilespmem:$0x11400] =	vst v63  }
0x69: {  	_ =	swait.ge [sflag:s28], $0x8000  }
0x6a: {  	[sflag:s28] =	ssyncset.done $0x0  }
0x6b: {  	[sflag:s28] =	ssyncadd.s32 $0xFFFF8000  }
0x6c: {  	_ =	swait.ge [sflag:s28], $0x80  }
0x6d: {  	[sflag:s28] =	ssyncset.done $0x0  }
0x6e: {  	[sflag:s28] =	ssyncadd.s32 $0xFFFFFF80  }
0x6f: {  	_ =	swait.ge [sflag:s28], $0x80  }
0x70: {  	[sflag:s28] =	ssyncset.done $0x0  }
0x71: {  	[sflag:s28] =	ssyncadd.s32 $0xFFFFFF80  }
0x72: {  	[spmem:s1] =	stream.indirect.scatter.add.f32 [tilespmem:s24], [sflag:$0x4], $0x80, s25, s22, $0xb8;
	[tilespmem:$0x11400] =	vst v63  }
0x73: {  	_ = 	snop  }
0x74: {  	[spmem:s1] =	stream.indirect.scatter.add.f32 [tilespmem:s29], [sflag:$0x4], $0x80, s26, s22, $0xb8;
	[tilespmem:$0x11400] =	vst v63  }
0x75: {  	v1 =	vld [tilespmem:$0x10080];
	_ =	sdelay $0x7  }
0x76: {  	[tilespmem:v1+s18+$0x0] =	vst.idx.add.f32.msk $0xffff, v0  }
0x77: {  	v1 =	vld [tilespmem:$0x10090];
	_ =	sdelay $0x7  }
0x78: {  	[tilespmem:v1+s18+$0x0] =	vst.idx.add.f32.msk $0xffff, v0  }
0x79: {  	v1 =	vld [tilespmem:$0x100A0];
	_ =	sdelay $0x7  }
0x7a: {  	[tilespmem:v1+s18+$0x0] =	vst.idx.add.f32.msk $0xffff, v0  }
0x7b: {  	v1 =	vld [tilespmem:$0x100B0];
	_ =	sdelay $0x7  }
0x7c: {  	[tilespmem:v1+s18+$0x0] =	vst.idx.add.f32.msk $0xffff, v0  }
0x7d: {  	v1 =	vld [tilespmem:$0x100C0];
	_ =	sdelay $0x7  }
0x7e: {  	[tilespmem:v1+s18+$0x0] =	vst.idx.add.f32.msk $0xffff, v0  }
0x7f: {  	v1 =	vld [tilespmem:$0x100D0];
	_ =	sdelay $0x7  }
0x80: {  	[tilespmem:v1+s18+$0x0] =	vst.idx.add.f32.msk $0xffff, v0  }
0x81: {  	v1 =	vld [tilespmem:$0x100E0];
	_ =	sdelay $0x7  }
0x82: {  	[tilespmem:v1+s18+$0x0] =	vst.idx.add.f32.msk $0xffff, v0  }
0x83: {  	v1 =	vld [tilespmem:$0x100F0];
	_ =	sdelay $0x7  }
0x84: {  	[tilespmem:v1+s18+$0x0] =	vst.idx.add.f32.msk $0xffff, v0  }
0x85: {  	v1 =	vld [tilespmem:$0x10180];
	_ =	sdelay $0x7  }
0x86: {  	[tilespmem:v1+s18+$0x0] =	vst.idx.add.f32.msk $0xffff, v0  }
0x87: {  	v1 =	vld [tilespmem:$0x10190];
	_ =	sdelay $0x7  }
0x88: {  	[tilespmem:v1+s18+$0x0] =	vst.idx.add.f32.msk $0xffff, v0  }
0x89: {  	v1 =	vld [tilespmem:$0x101A0];
	_ =	sdelay $0x7  }
0x8a: {  	[tilespmem:v1+s18+$0x0] =	vst.idx.add.f32.msk $0xffff, v0  }
0x8b: {  	v1 =	vld [tilespmem:$0x101B0];
	_ =	sdelay $0x7  }
0x8c: {  	[tilespmem:v1+s18+$0x0] =	vst.idx.add.f32.msk $0xffff, v0  }
0x8d: {  	v1 =	vld [tilespmem:$0x101C0];
	_ =	sdelay $0x7  }
0x8e: {  	[tilespmem:v1+s18+$0x0] =	vst.idx.add.f32.msk $0xffff, v0  }
0x8f: {  	v1 =	vld [tilespmem:$0x101D0];
	_ =	sdelay $0x7  }
0x90: {  	[tilespmem:v1+s18+$0x0] =	vst.idx.add.f32.msk $0xffff, v0  }
0x91: {  	v1 =	vld [tilespmem:$0x101E0];
	_ =	sdelay $0x7  }
0x92: {  	[tilespmem:v1+s18+$0x0] =	vst.idx.add.f32.msk $0xffff, v0  }
0x93: {  	v1 =	vld [tilespmem:$0x101F0];
	_ =	sdelay $0x7  }
0x94: {  	[tilespmem:v1+s18+$0x0] =	vst.idx.add.f32.msk $0xffff, v0  }
0x95: {  	_ =	swait.ge [sflag:s30], $0x4000  }
0x96: {  	[sflag:s30] =	ssyncset.done $0x0  }
0x97: {  	[sflag:s30] =	ssyncadd.s32 $0xFFFFC000  }
0x98: {  	_ =	swait.ge [sflag:s30], $0x4000  }
0x99: {  	[sflag:s30] =	ssyncset.done $0x0  }
0x9a: {  	s0 =	rddreg [dreg:$0xd];
	[sflag:s30] =	ssyncadd.s32 $0xFFFFC000  }
0x9b: {  	[tilespmem:s3], [sflag:$0x1] =	stream.linear.gather [hbm4b:s0+s3], $0x8000, $0x38;
	[tilespmem:$0x11400] =	vst v63  }
0x9c: {  	s2 =	rddreg [dreg:$0xe]  }
0x9d: {  	[tilespmem:s19], [sflag:$0x1] =	stream.linear.gather [hbm4b:s2+s3], $0x80, $0x38;
	[tilespmem:$0x11400] =	vst v63  }
0x9e: {  	s0 =	rddreg [dreg:$0xf]  }
0x9f: {  	[tilespmem:s20], [sflag:$0x1] =	stream.linear.gather [hbm4b:s0+s3], $0x80, $0x38;
	[tilespmem:$0x11400] =	vst v63  }
0xa0: {  	_ =	swait.ge [sflag:s21], $0x8000  }
0xa1: {  	[sflag:s21] =	ssyncset.done $0x0  }
0xa2: {  	[sflag:s21] =	ssyncadd.s32 $0xFFFF8000  }
0xa3: {  	_ =	swait.ge [sflag:s21], $0x80  }
0xa4: {  	[sflag:s21] =	ssyncset.done $0x0  }
0xa5: {  	[sflag:s21] =	ssyncadd.s32 $0xFFFFFF80  }
0xa6: {  	_ =	swait.ge [sflag:s21], $0x80  }
0xa7: {  	[sflag:s21] =	ssyncset.done $0x0  }
0xa8: {  	[sflag:s21] =	ssyncadd.s32 $0xFFFFFF80  }
0xa9: {  	[spmem:s1] =	stream.indirect.scatter.add.f32 [tilespmem:s3], [sflag:$0x3], $0x80, s19, s22, $0xb8;
	[tilespmem:$0x11400] =	vst v63  }
0xaa: {  	_ = 	snop  }
0xab: {  	[spmem:s1] =	stream.indirect.scatter.add.f32 [tilespmem:s23], [sflag:$0x3], $0x80, s20, s22, $0xb8;
	[tilespmem:$0x11400] =	vst v63  }
0xac: {  	v1 =	vld [tilespmem:$0x10000];
	_ =	sdelay $0x7  }
0xad: {  	[tilespmem:v1+s18+$0x0] =	vst.idx.add.f32.msk $0xffff, v0  }
0xae: {  	v1 =	vld [tilespmem:$0x10010];
	_ =	sdelay $0x7  }
0xaf: {  	[tilespmem:v1+s18+$0x0] =	vst.idx.add.f32.msk $0xffff, v0  }
0xb0: {  	v1 =	vld [tilespmem:$0x10020];
	_ =	sdelay $0x7  }
0xb1: {  	[tilespmem:v1+s18+$0x0] =	vst.idx.add.f32.msk $0xffff, v0  }
0xb2: {  	v1 =	vld [tilespmem:$0x10030];
	_ =	sdelay $0x7  }
0xb3: {  	[tilespmem:v1+s18+$0x0] =	vst.idx.add.f32.msk $0xffff, v0  }
0xb4: {  	v1 =	vld [tilespmem:$0x10040];
	_ =	sdelay $0x7  }
0xb5: {  	[tilespmem:v1+s18+$0x0] =	vst.idx.add.f32.msk $0xffff, v0  }
0xb6: {  	v1 =	vld [tilespmem:$0x10050];
	_ =	sdelay $0x7  }
0xb7: {  	[tilespmem:v1+s18+$0x0] =	vst.idx.add.f32.msk $0xffff, v0  }
0xb8: {  	v1 =	vld [tilespmem:$0x10060];
	_ =	sdelay $0x7  }
0xb9: {  	[tilespmem:v1+s18+$0x0] =	vst.idx.add.f32.msk $0xffff, v0  }
0xba: {  	v1 =	vld [tilespmem:$0x10070];
	_ =	sdelay $0x7  }
0xbb: {  	[tilespmem:v1+s18+$0x0] =	vst.idx.add.f32.msk $0xffff, v0  }
0xbc: {  	v1 =	vld [tilespmem:$0x10100];
	_ =	sdelay $0x7  }
0xbd: {  	[tilespmem:v1+s18+$0x0] =	vst.idx.add.f32.msk $0xffff, v0  }
0xbe: {  	v1 =	vld [tilespmem:$0x10110];
	_ =	sdelay $0x7  }
0xbf: {  	[tilespmem:v1+s18+$0x0] =	vst.idx.add.f32.msk $0xffff, v0  }
0xc0: {  	v1 =	vld [tilespmem:$0x10120];
	_ =	sdelay $0x7  }
0xc1: {  	[tilespmem:v1+s18+$0x0] =	vst.idx.add.f32.msk $0xffff, v0  }
0xc2: {  	v1 =	vld [tilespmem:$0x10130];
	_ =	sdelay $0x7  }
0xc3: {  	[tilespmem:v1+s18+$0x0] =	vst.idx.add.f32.msk $0xffff, v0  }
0xc4: {  	v1 =	vld [tilespmem:$0x10140];
	_ =	sdelay $0x7  }
0xc5: {  	[tilespmem:v1+s18+$0x0] =	vst.idx.add.f32.msk $0xffff, v0  }
0xc6: {  	v1 =	vld [tilespmem:$0x10150];
	_ =	sdelay $0x7  }
0xc7: {  	[tilespmem:v1+s18+$0x0] =	vst.idx.add.f32.msk $0xffff, v0  }
0xc8: {  	v1 =	vld [tilespmem:$0x10160];
	_ =	sdelay $0x7  }
0xc9: {  	[tilespmem:v1+s18+$0x0] =	vst.idx.add.f32.msk $0xffff, v0  }
0xca: {  	v1 =	vld [tilespmem:$0x10170];
	_ =	sdelay $0x7  }
0xcb: {  	[tilespmem:v1+s18+$0x0] =	vst.idx.add.f32.msk $0xffff, v0  }
0xcc: {  	_ =	swait.ge [sflag:s31], $0x4000  }
0xcd: {  	[sflag:s31] =	ssyncset.done $0x0  }
0xce: {  	[sflag:s31] =	ssyncadd.s32 $0xFFFFC000  }
0xcf: {  	_ =	swait.ge [sflag:s31], $0x4000  }
0xd0: {  	[sflag:s31] =	ssyncset.done $0x0  }
0xd1: {  	s0 =	rddreg [dreg:$0x10];
	[sflag:s31] =	ssyncadd.s32 $0xFFFFC000  }
0xd2: {  	[tilespmem:s24], [sflag:$0x2] =	stream.linear.gather [hbm4b:s0+s3], $0x8000, $0x38;
	[tilespmem:$0x11400] =	vst v63  }
0xd3: {  	s2 =	rddreg [dreg:$0x11]  }
0xd4: {  	[tilespmem:s25], [sflag:$0x2] =	stream.linear.gather [hbm4b:s2+s3], $0x80, $0x38;
	[tilespmem:$0x11400] =	vst v63  }
0xd5: {  	s0 =	rddreg [dreg:$0x12]  }
0xd6: {  	[tilespmem:s26], [sflag:$0x2] =	stream.linear.gather [hbm4b:s0+s3], $0x80, $0x38;
	[tilespmem:$0x11400] =	vst v63  }
0xd7: {  	_ =	swait.ge [sflag:s28], $0x8000  }
0xd8: {  	[sflag:s28] =	ssyncset.done $0x0  }
0xd9: {  	[sflag:s28] =	ssyncadd.s32 $0xFFFF8000  }
0xda: {  	_ =	swait.ge [sflag:s28], $0x80  }
0xdb: {  	[sflag:s28] =	ssyncset.done $0x0  }
0xdc: {  	[sflag:s28] =	ssyncadd.s32 $0xFFFFFF80  }
0xdd: {  	_ =	swait.ge [sflag:s28], $0x80  }
0xde: {  	[sflag:s28] =	ssyncset.done $0x0  }
0xdf: {  	[sflag:s28] =	ssyncadd.s32 $0xFFFFFF80  }
0xe0: {  	[spmem:s1] =	stream.indirect.scatter.add.f32 [tilespmem:s24], [sflag:$0x4], $0x80, s25, s22, $0xb8;
	[tilespmem:$0x11400] =	vst v63  }
0xe1: {  	_ = 	snop  }
0xe2: {  	[spmem:s1] =	stream.indirect.scatter.add.f32 [tilespmem:s29], [sflag:$0x4], $0x80, s26, s22, $0xb8;
	[tilespmem:$0x11400] =	vst v63  }
0xe3: {  	v1 =	vld [tilespmem:$0x10080];
	_ =	sdelay $0x7  }
0xe4: {  	[tilespmem:v1+s18+$0x0] =	vst.idx.add.f32.msk $0xffff, v0  }
0xe5: {  	v1 =	vld [tilespmem:$0x10090];
	_ =	sdelay $0x7  }
0xe6: {  	[tilespmem:v1+s18+$0x0] =	vst.idx.add.f32.msk $0xffff, v0  }
0xe7: {  	v1 =	vld [tilespmem:$0x100A0];
	_ =	sdelay $0x7  }
0xe8: {  	[tilespmem:v1+s18+$0x0] =	vst.idx.add.f32.msk $0xffff, v0  }
0xe9: {  	v1 =	vld [tilespmem:$0x100B0];
	_ =	sdelay $0x7  }
0xea: {  	[tilespmem:v1+s18+$0x0] =	vst.idx.add.f32.msk $0xffff, v0  }
0xeb: {  	v1 =	vld [tilespmem:$0x100C0];
	_ =	sdelay $0x7  }
0xec: {  	[tilespmem:v1+s18+$0x0] =	vst.idx.add.f32.msk $0xffff, v0  }
0xed: {  	v1 =	vld [tilespmem:$0x100D0];
	_ =	sdelay $0x7  }
0xee: {  	[tilespmem:v1+s18+$0x0] =	vst.idx.add.f32.msk $0xffff, v0  }
0xef: {  	v1 =	vld [tilespmem:$0x100E0];
	_ =	sdelay $0x7  }
0xf0: {  	[tilespmem:v1+s18+$0x0] =	vst.idx.add.f32.msk $0xffff, v0  }
0xf1: {  	v1 =	vld [tilespmem:$0x100F0];
	_ =	sdelay $0x7  }
0xf2: {  	[tilespmem:v1+s18+$0x0] =	vst.idx.add.f32.msk $0xffff, v0  }
0xf3: {  	v1 =	vld [tilespmem:$0x10180];
	_ =	sdelay $0x7  }
0xf4: {  	[tilespmem:v1+s18+$0x0] =	vst.idx.add.f32.msk $0xffff, v0  }
0xf5: {  	v1 =	vld [tilespmem:$0x10190];
	_ =	sdelay $0x7  }
0xf6: {  	[tilespmem:v1+s18+$0x0] =	vst.idx.add.f32.msk $0xffff, v0  }
0xf7: {  	v1 =	vld [tilespmem:$0x101A0];
	_ =	sdelay $0x7  }
0xf8: {  	[tilespmem:v1+s18+$0x0] =	vst.idx.add.f32.msk $0xffff, v0  }
0xf9: {  	v1 =	vld [tilespmem:$0x101B0];
	_ =	sdelay $0x7  }
0xfa: {  	[tilespmem:v1+s18+$0x0] =	vst.idx.add.f32.msk $0xffff, v0  }
0xfb: {  	v1 =	vld [tilespmem:$0x101C0];
	_ =	sdelay $0x7  }
0xfc: {  	[tilespmem:v1+s18+$0x0] =	vst.idx.add.f32.msk $0xffff, v0  }
0xfd: {  	v1 =	vld [tilespmem:$0x101D0];
	_ =	sdelay $0x7  }
0xfe: {  	[tilespmem:v1+s18+$0x0] =	vst.idx.add.f32.msk $0xffff, v0  }
0xff: {  	v1 =	vld [tilespmem:$0x101E0];
	_ =	sdelay $0x7  }
0x100: {  	[tilespmem:v1+s18+$0x0] =	vst.idx.add.f32.msk $0xffff, v0  }
0x101: {  	v1 =	vld [tilespmem:$0x101F0];
	_ =	sdelay $0x7  }
0x102: {  	[tilespmem:v1+s18+$0x0] =	vst.idx.add.f32.msk $0xffff, v0  }
0x103: {  	_ =	swait.ge [sflag:s30], $0x4000  }
0x104: {  	[sflag:s30] =	ssyncset.done $0x0  }
0x105: {  	[sflag:s30] =	ssyncadd.s32 $0xFFFFC000  }
0x106: {  	_ =	swait.ge [sflag:s30], $0x4000  }
0x107: {  	[sflag:s30] =	ssyncset.done $0x0  }
0x108: {  	s0 =	rddreg [dreg:$0x13];
	[sflag:s30] =	ssyncadd.s32 $0xFFFFC000  }
0x109: {  	[tilespmem:s3], [sflag:$0x1] =	stream.linear.gather [hbm4b:s0+s3], $0x8000, $0x38;
	[tilespmem:$0x11400] =	vst v63  }
0x10a: {  	s2 =	rddreg [dreg:$0x14]  }
0x10b: {  	[tilespmem:s19], [sflag:$0x1] =	stream.linear.gather [hbm4b:s2+s3], $0x80, $0x38;
	[tilespmem:$0x11400] =	vst v63  }
0x10c: {  	_ = 	snop  }
0x10d: {  	[tilespmem:s20], [sflag:$0x1] =	stream.linear.gather [hbm4b:s6+s3], $0x80, $0x38;
	[tilespmem:$0x11400] =	vst v63  }
0x10e: {  	_ =	swait.ge [sflag:s21], $0x8000  }
0x10f: {  	[sflag:s21] =	ssyncset.done $0x0  }
0x110: {  	[sflag:s21] =	ssyncadd.s32 $0xFFFF8000  }
0x111: {  	_ =	swait.ge [sflag:s21], $0x80  }
0x112: {  	[sflag:s21] =	ssyncset.done $0x0  }
0x113: {  	[sflag:s21] =	ssyncadd.s32 $0xFFFFFF80  }
0x114: {  	_ =	swait.ge [sflag:s21], $0x80  }
0x115: {  	[sflag:s21] =	ssyncset.done $0x0  }
0x116: {  	[sflag:s21] =	ssyncadd.s32 $0xFFFFFF80  }
0x117: {  	[spmem:s1] =	stream.indirect.scatter.add.f32 [tilespmem:s3], [sflag:$0x3], $0x80, s19, s22, $0xb8;
	[tilespmem:$0x11400] =	vst v63  }
0x118: {  	_ = 	snop  }
0x119: {  	[spmem:s1] =	stream.indirect.scatter.add.f32 [tilespmem:s23], [sflag:$0x3], $0x80, s20, s22, $0xb8;
	[tilespmem:$0x11400] =	vst v63  }
0x11a: {  	v1 =	vld [tilespmem:$0x10000];
	_ =	sdelay $0x7  }
0x11b: {  	[tilespmem:v1+s18+$0x0] =	vst.idx.add.f32.msk $0xffff, v0  }
0x11c: {  	v1 =	vld [tilespmem:$0x10010];
	_ =	sdelay $0x7  }
0x11d: {  	[tilespmem:v1+s18+$0x0] =	vst.idx.add.f32.msk $0xffff, v0  }
0x11e: {  	v1 =	vld [tilespmem:$0x10020];
	_ =	sdelay $0x7  }
0x11f: {  	[tilespmem:v1+s18+$0x0] =	vst.idx.add.f32.msk $0xffff, v0  }
0x120: {  	v1 =	vld [tilespmem:$0x10030];
	_ =	sdelay $0x7  }
0x121: {  	[tilespmem:v1+s18+$0x0] =	vst.idx.add.f32.msk $0xffff, v0  }
0x122: {  	v1 =	vld [tilespmem:$0x10040];
	_ =	sdelay $0x7  }
0x123: {  	[tilespmem:v1+s18+$0x0] =	vst.idx.add.f32.msk $0xffff, v0  }
0x124: {  	v1 =	vld [tilespmem:$0x10050];
	_ =	sdelay $0x7  }
0x125: {  	[tilespmem:v1+s18+$0x0] =	vst.idx.add.f32.msk $0xffff, v0  }
0x126: {  	v1 =	vld [tilespmem:$0x10060];
	_ =	sdelay $0x7  }
0x127: {  	[tilespmem:v1+s18+$0x0] =	vst.idx.add.f32.msk $0xffff, v0  }
0x128: {  	v1 =	vld [tilespmem:$0x10070];
	_ =	sdelay $0x7  }
0x129: {  	[tilespmem:v1+s18+$0x0] =	vst.idx.add.f32.msk $0xffff, v0  }
0x12a: {  	v1 =	vld [tilespmem:$0x10100];
	_ =	sdelay $0x7  }
0x12b: {  	[tilespmem:v1+s18+$0x0] =	vst.idx.add.f32.msk $0xffff, v0  }
0x12c: {  	v1 =	vld [tilespmem:$0x10110];
	_ =	sdelay $0x7  }
0x12d: {  	[tilespmem:v1+s18+$0x0] =	vst.idx.add.f32.msk $0xffff, v0  }
0x12e: {  	v1 =	vld [tilespmem:$0x10120];
	_ =	sdelay $0x7  }
0x12f: {  	[tilespmem:v1+s18+$0x0] =	vst.idx.add.f32.msk $0xffff, v0  }
0x130: {  	v1 =	vld [tilespmem:$0x10130];
	_ =	sdelay $0x7  }
0x131: {  	[tilespmem:v1+s18+$0x0] =	vst.idx.add.f32.msk $0xffff, v0  }
0x132: {  	v1 =	vld [tilespmem:$0x10140];
	_ =	sdelay $0x7  }
0x133: {  	[tilespmem:v1+s18+$0x0] =	vst.idx.add.f32.msk $0xffff, v0  }
0x134: {  	v1 =	vld [tilespmem:$0x10150];
	_ =	sdelay $0x7  }
0x135: {  	[tilespmem:v1+s18+$0x0] =	vst.idx.add.f32.msk $0xffff, v0  }
0x136: {  	v1 =	vld [tilespmem:$0x10160];
	_ =	sdelay $0x7  }
0x137: {  	[tilespmem:v1+s18+$0x0] =	vst.idx.add.f32.msk $0xffff, v0  }
0x138: {  	v1 =	vld [tilespmem:$0x10170];
	_ =	sdelay $0x7  }
0x139: {  	[tilespmem:v1+s18+$0x0] =	vst.idx.add.f32.msk $0xffff, v0  }
0x13a: {  	_ =	swait.ge [sflag:s31], $0x4000  }
0x13b: {  	[sflag:s31] =	ssyncset.done $0x0  }
0x13c: {  	[sflag:s31] =	ssyncadd.s32 $0xFFFFC000  }
0x13d: {  	_ =	swait.ge [sflag:s31], $0x4000  }
0x13e: {  	[sflag:s31] =	ssyncset.done $0x0  }
0x13f: {  	[sflag:s31] =	ssyncadd.s32 $0xFFFFC000  }
0x140: {  	[tilespmem:s24], [sflag:$0x2] =	stream.linear.gather [hbm4b:s7+s3], $0x8000, $0x38;
	[tilespmem:$0x11400] =	vst v63  }
0x141: {  	_ = 	snop  }
0x142: {  	[tilespmem:s25], [sflag:$0x2] =	stream.linear.gather [hbm4b:s8+s3], $0x80, $0x38;
	[tilespmem:$0x11400] =	vst v63  }
0x143: {  	_ = 	snop  }
0x144: {  	[tilespmem:s26], [sflag:$0x2] =	stream.linear.gather [hbm4b:s9+s3], $0x80, $0x38;
	[tilespmem:$0x11400] =	vst v63  }
0x145: {  	_ =	swait.ge [sflag:s28], $0x8000  }
0x146: {  	[sflag:s28] =	ssyncset.done $0x0  }
0x147: {  	[sflag:s28] =	ssyncadd.s32 $0xFFFF8000  }
0x148: {  	_ =	swait.ge [sflag:s28], $0x80  }
0x149: {  	[sflag:s28] =	ssyncset.done $0x0  }
0x14a: {  	[sflag:s28] =	ssyncadd.s32 $0xFFFFFF80  }
0x14b: {  	_ =	swait.ge [sflag:s28], $0x80  }
0x14c: {  	[sflag:s28] =	ssyncset.done $0x0  }
0x14d: {  	[sflag:s28] =	ssyncadd.s32 $0xFFFFFF80  }
0x14e: {  	[spmem:s1] =	stream.indirect.scatter.add.f32 [tilespmem:s24], [sflag:$0x4], $0x80, s25, s22, $0xb8;
	[tilespmem:$0x11400] =	vst v63  }
0x14f: {  	_ = 	snop  }
0x150: {  	[spmem:s1] =	stream.indirect.scatter.add.f32 [tilespmem:s29], [sflag:$0x4], $0x80, s26, s22, $0xb8;
	[tilespmem:$0x11400] =	vst v63  }
0x151: {  	v1 =	vld [tilespmem:$0x10080];
	_ =	sdelay $0x7  }
0x152: {  	[tilespmem:v1+s18+$0x0] =	vst.idx.add.f32.msk $0xffff, v0  }
0x153: {  	v1 =	vld [tilespmem:$0x10090];
	_ =	sdelay $0x7  }
0x154: {  	[tilespmem:v1+s18+$0x0] =	vst.idx.add.f32.msk $0xffff, v0  }
0x155: {  	v1 =	vld [tilespmem:$0x100A0];
	_ =	sdelay $0x7  }
0x156: {  	[tilespmem:v1+s18+$0x0] =	vst.idx.add.f32.msk $0xffff, v0  }
0x157: {  	v1 =	vld [tilespmem:$0x100B0];
	_ =	sdelay $0x7  }
0x158: {  	[tilespmem:v1+s18+$0x0] =	vst.idx.add.f32.msk $0xffff, v0  }
0x159: {  	v1 =	vld [tilespmem:$0x100C0];
	_ =	sdelay $0x7  }
0x15a: {  	[tilespmem:v1+s18+$0x0] =	vst.idx.add.f32.msk $0xffff, v0  }
0x15b: {  	v1 =	vld [tilespmem:$0x100D0];
	_ =	sdelay $0x7  }
0x15c: {  	[tilespmem:v1+s18+$0x0] =	vst.idx.add.f32.msk $0xffff, v0  }
0x15d: {  	v1 =	vld [tilespmem:$0x100E0];
	_ =	sdelay $0x7  }
0x15e: {  	[tilespmem:v1+s18+$0x0] =	vst.idx.add.f32.msk $0xffff, v0  }
0x15f: {  	v1 =	vld [tilespmem:$0x100F0];
	_ =	sdelay $0x7  }
0x160: {  	[tilespmem:v1+s18+$0x0] =	vst.idx.add.f32.msk $0xffff, v0  }
0x161: {  	v1 =	vld [tilespmem:$0x10180];
	_ =	sdelay $0x7  }
0x162: {  	[tilespmem:v1+s18+$0x0] =	vst.idx.add.f32.msk $0xffff, v0  }
0x163: {  	v1 =	vld [tilespmem:$0x10190];
	_ =	sdelay $0x7  }
0x164: {  	[tilespmem:v1+s18+$0x0] =	vst.idx.add.f32.msk $0xffff, v0  }
0x165: {  	v1 =	vld [tilespmem:$0x101A0];
	_ =	sdelay $0x7  }
0x166: {  	[tilespmem:v1+s18+$0x0] =	vst.idx.add.f32.msk $0xffff, v0  }
0x167: {  	v1 =	vld [tilespmem:$0x101B0];
	_ =	sdelay $0x7  }
0x168: {  	[tilespmem:v1+s18+$0x0] =	vst.idx.add.f32.msk $0xffff, v0  }
0x169: {  	v1 =	vld [tilespmem:$0x101C0];
	_ =	sdelay $0x7  }
0x16a: {  	[tilespmem:v1+s18+$0x0] =	vst.idx.add.f32.msk $0xffff, v0  }
0x16b: {  	v1 =	vld [tilespmem:$0x101D0];
	_ =	sdelay $0x7  }
0x16c: {  	[tilespmem:v1+s18+$0x0] =	vst.idx.add.f32.msk $0xffff, v0  }
0x16d: {  	v1 =	vld [tilespmem:$0x101E0];
	_ =	sdelay $0x7  }
0x16e: {  	[tilespmem:v1+s18+$0x0] =	vst.idx.add.f32.msk $0xffff, v0  }
0x16f: {  	v1 =	vld [tilespmem:$0x101F0];
	_ =	sdelay $0x7  }
0x170: {  	[tilespmem:v1+s18+$0x0] =	vst.idx.add.f32.msk $0xffff, v0  }
0x171: {  	_ =	swait.ge [sflag:s30], $0x4000  }
0x172: {  	[sflag:s30] =	ssyncset.done $0x0  }
0x173: {  	[sflag:s30] =	ssyncadd.s32 $0xFFFFC000  }
0x174: {  	_ =	swait.ge [sflag:s30], $0x4000  }
0x175: {  	[sflag:s30] =	ssyncset.done $0x0  }
0x176: {  	[sflag:s30] =	ssyncadd.s32 $0xFFFFC000  }
0x177: {  	[tilespmem:s3], [sflag:$0x1] =	stream.linear.gather [hbm4b:s10+s3], $0x8000, $0x38;
	[tilespmem:$0x11400] =	vst v63  }
0x178: {  	_ = 	snop  }
0x179: {  	[tilespmem:s19], [sflag:$0x1] =	stream.linear.gather [hbm4b:s11+s3], $0x80, $0x38;
	[tilespmem:$0x11400] =	vst v63  }
0x17a: {  	_ = 	snop  }
0x17b: {  	[tilespmem:s20], [sflag:$0x1] =	stream.linear.gather [hbm4b:s12+s3], $0x80, $0x38;
	[tilespmem:$0x11400] =	vst v63  }
0x17c: {  	_ =	swait.ge [sflag:s21], $0x8000  }
0x17d: {  	[sflag:s21] =	ssyncset.done $0x0  }
0x17e: {  	[sflag:s21] =	ssyncadd.s32 $0xFFFF8000  }
0x17f: {  	_ =	swait.ge [sflag:s21], $0x80  }
0x180: {  	[sflag:s21] =	ssyncset.done $0x0  }
0x181: {  	[sflag:s21] =	ssyncadd.s32 $0xFFFFFF80  }
0x182: {  	_ =	swait.ge [sflag:s21], $0x80  }
0x183: {  	[sflag:s21] =	ssyncset.done $0x0  }
0x184: {  	[sflag:s21] =	ssyncadd.s32 $0xFFFFFF80  }
0x185: {  	[spmem:s1] =	stream.indirect.scatter.add.f32 [tilespmem:s3], [sflag:$0x3], $0x80, s19, s22, $0xb8;
	[tilespmem:$0x11400] =	vst v63  }
0x186: {  	_ = 	snop  }
0x187: {  	[spmem:s1] =	stream.indirect.scatter.add.f32 [tilespmem:s23], [sflag:$0x3], $0x80, s20, s22, $0xb8;
	[tilespmem:$0x11400] =	vst v63  }
0x188: {  	v1 =	vld [tilespmem:$0x10000];
	_ =	sdelay $0x7  }
0x189: {  	[tilespmem:v1+s18+$0x0] =	vst.idx.add.f32.msk $0xffff, v0  }
0x18a: {  	v1 =	vld [tilespmem:$0x10010];
	_ =	sdelay $0x7  }
0x18b: {  	[tilespmem:v1+s18+$0x0] =	vst.idx.add.f32.msk $0xffff, v0  }
0x18c: {  	v1 =	vld [tilespmem:$0x10020];
	_ =	sdelay $0x7  }
0x18d: {  	[tilespmem:v1+s18+$0x0] =	vst.idx.add.f32.msk $0xffff, v0  }
0x18e: {  	v1 =	vld [tilespmem:$0x10030];
	_ =	sdelay $0x7  }
0x18f: {  	[tilespmem:v1+s18+$0x0] =	vst.idx.add.f32.msk $0xffff, v0  }
0x190: {  	v1 =	vld [tilespmem:$0x10040];
	_ =	sdelay $0x7  }
0x191: {  	[tilespmem:v1+s18+$0x0] =	vst.idx.add.f32.msk $0xffff, v0  }
0x192: {  	v1 =	vld [tilespmem:$0x10050];
	_ =	sdelay $0x7  }
0x193: {  	[tilespmem:v1+s18+$0x0] =	vst.idx.add.f32.msk $0xffff, v0  }
0x194: {  	v1 =	vld [tilespmem:$0x10060];
	_ =	sdelay $0x7  }
0x195: {  	[tilespmem:v1+s18+$0x0] =	vst.idx.add.f32.msk $0xffff, v0  }
0x196: {  	v1 =	vld [tilespmem:$0x10070];
	_ =	sdelay $0x7  }
0x197: {  	[tilespmem:v1+s18+$0x0] =	vst.idx.add.f32.msk $0xffff, v0  }
0x198: {  	v1 =	vld [tilespmem:$0x10100];
	_ =	sdelay $0x7  }
0x199: {  	[tilespmem:v1+s18+$0x0] =	vst.idx.add.f32.msk $0xffff, v0  }
0x19a: {  	v1 =	vld [tilespmem:$0x10110];
	_ =	sdelay $0x7  }
0x19b: {  	[tilespmem:v1+s18+$0x0] =	vst.idx.add.f32.msk $0xffff, v0  }
0x19c: {  	v1 =	vld [tilespmem:$0x10120];
	_ =	sdelay $0x7  }
0x19d: {  	[tilespmem:v1+s18+$0x0] =	vst.idx.add.f32.msk $0xffff, v0  }
0x19e: {  	v1 =	vld [tilespmem:$0x10130];
	_ =	sdelay $0x7  }
0x19f: {  	[tilespmem:v1+s18+$0x0] =	vst.idx.add.f32.msk $0xffff, v0  }
0x1a0: {  	v1 =	vld [tilespmem:$0x10140];
	_ =	sdelay $0x7  }
0x1a1: {  	[tilespmem:v1+s18+$0x0] =	vst.idx.add.f32.msk $0xffff, v0  }
0x1a2: {  	v1 =	vld [tilespmem:$0x10150];
	_ =	sdelay $0x7  }
0x1a3: {  	[tilespmem:v1+s18+$0x0] =	vst.idx.add.f32.msk $0xffff, v0  }
0x1a4: {  	v1 =	vld [tilespmem:$0x10160];
	_ =	sdelay $0x7  }
0x1a5: {  	[tilespmem:v1+s18+$0x0] =	vst.idx.add.f32.msk $0xffff, v0  }
0x1a6: {  	v1 =	vld [tilespmem:$0x10170];
	_ =	sdelay $0x7  }
0x1a7: {  	[tilespmem:v1+s18+$0x0] =	vst.idx.add.f32.msk $0xffff, v0  }
0x1a8: {  	_ =	swait.ge [sflag:s31], $0x4000  }
0x1a9: {  	[sflag:s31] =	ssyncset.done $0x0  }
0x1aa: {  	[sflag:s31] =	ssyncadd.s32 $0xFFFFC000  }
0x1ab: {  	_ =	swait.ge [sflag:s31], $0x4000  }
0x1ac: {  	[sflag:s31] =	ssyncset.done $0x0  }
0x1ad: {  	[sflag:s31] =	ssyncadd.s32 $0xFFFFC000  }
0x1ae: {  	_ =	swait.ge [sflag:s30], $0x4000  }
0x1af: {  	[sflag:s30] =	ssyncset.done $0x0  }
0x1b0: {  	[sflag:s30] =	ssyncadd.s32 $0xFFFFC000  }
0x1b1: {  	_ =	swait.ge [sflag:s30], $0x4000  }
0x1b2: {  	[sflag:s30] =	ssyncset.done $0x0  }
0x1b3: {  	s2 =	simm.s32 $0x400;
	[sflag:s30] =	ssyncadd.s32 $0xFFFFC000  }
0x1b4: {  	[hbm4b:s13+s22] =	stream.strided.scatter [tilespmem:s18], [sflag:$0x5], $0x200, s2, s22, $0x38;
	[tilespmem:$0x11400] =	vst v63  }
0x1b5: {  	_ =	swait.ge [sflag:s17], $0x200  }
0x1b6: {  	[sflag:s17] =	ssyncset.done $0x0  }
0x1b7: {  	p0 =	sne.s32 s15, $0x1;
	[sflag:s17] =	ssyncadd.s32 $0xFFFFFE00  }
.Ltmp0:
0x1b8: {  	[bflag:$0x0] =	sbarrier.arrive $0xFFFF;
	(pc) =	sbr.rel @p0 .LBB2_1-.Ltmp0, $4  }
0x1b9: {  	[hbm:s14], [sflag:s5] =	dma.local [spmem:s16], $0x200  }
0x1ba: {  	_ =	swait.ge [sflag:s17], $0x200  }
0x1bb: {  	[sflag:s17] =	ssyncset.done $0x0  }
0x1bc: {  	s15 =	sadd.s32 $0xFFFFFFFF, s15;
	[sflag:s17] =	ssyncadd.s32 $0xFFFFFE00  }
0x1bd: {  	_ =	sfence.sel $0x180000  }
0x1be: {  	[bflag:$0x0] =	sbarrier.arrive $0xFFFF  }
0x1bf: {  	_ =	strace $0x90000047  }
0x1c0: {  	s0 =	stileid.u32;
	[bflag:$0x2] =	sbarrier.arrive $0xFFFF  }
0x1c1: {  	p0 =	sne.s32 s0, $0x0;
	s0 =	rddreg [dreg:$0x5]  }
0x1c2: {  	s0 =	sadd.s32 @!p0 $0x100000, s0  }
0x1c3: {  	[sflag:s0] =	ssyncadd.tile.s32 @!p0 $0x1;
	_ =	shalt  }
.Lfunc_end2:
_tile_overlayer_lowered:
.L_overlay_start_2:
0x1c4: {  	(tag) =	ssettag $0x2  }
0x1c5: {  	s0 =	rddreg [dreg:$0x0];
	s2 =	stileid.u32  }
0x1c6: {  	s1 =	rddreg [dreg:$0x1];
	p0 =	sne.s32 s2, $0x0  }
0x1c7: {  	s3 =	rddreg [dreg:$0x2];
	[bflag:$0x3] =	sbarrier.arrive $0xFFFF;
	s2 =	simm.s32 @!p0 $0x1C05  }
0x1c8: {  	[timem:s3], [sflag:s2] =	dma.local @!p0 [hbm:s0], s1  }
0x1c9: {  	s0 =	simm.s32 @!p0 $0x5  }
0x1ca: {  	_ =	swait.ge @!p0 [sflag:s0], s1  }
0x1cb: {  	s1 =	ssub.s32 @!p0 $0x0, s1;
	[sflag:s0] =	ssyncset.done @!p0 $0x0  }
0x1cc: {  	[sflag:s0] =	ssyncadd.s32 @!p0 s1  }
0x1cd: {  	[bflag:$0x3] =	sbarrier.arrive $0xFFFF  }
0x1ce: {  	_ =	shalt  }

</sc_bundles>
